<compile_context>
chip_gen: v7x
topology: tpu7x:2x2x1
jax: 0.10.2.dev20260603
libtpu: 0.0.44.dev20260713+nightly
codegen_flags: <defaults>
</compile_context>

<pallas_src>
import functools
import jax
import jax.numpy as jnp
from jax import lax
from jax.experimental import pallas as pl
from jax.experimental.pallas import tpu as pltpu

WSZ = 8
NUM_HEADS = 2
CR = 2
FILTER_RATE = 0.3
NUM_BLOCKS = 2
C = 96
T = 16
G = 4
PH = 128
PC2 = NUM_HEADS * PH


def _gelu(x):
    return 0.5 * x * (1.0 + lax.erf(x * (2.0 ** -0.5)))


def _bf(x):
    return x.astype(jnp.bfloat16)


def _compute_body(idx_ref, *refs):
    (xw_refs, (ng, nb, lw, lb, qw, qb, pw, pb, o_ref)) = refs[:T], refs[T:]
    winsz = WSZ * WSZ
    xs = [r[...].reshape(winsz, C) for r in xw_refs]
    x0 = jnp.concatenate(xs, axis=0)
    mu = jnp.mean(x0, axis=-1, keepdims=True)
    var = jnp.mean((x0 - mu) * (x0 - mu), axis=-1, keepdims=True)
    xln = (x0 - mu) * lax.rsqrt(var + 1e-5) * ng[...] + nb[...]
    h = _gelu(
        jnp.dot(_bf(xln), lw[...], preferred_element_type=jnp.float32)
        + lb[...])
    qkv = jnp.dot(_bf(h), qw[...], preferred_element_type=jnp.float32) \
        + qb[...]
    scale = (C // NUM_HEADS) ** (-0.5)
    qkvb = _bf(qkv)
    gw = G * winsz
    ri = lax.broadcasted_iota(jnp.int32, (gw, gw), 0) // winsz
    ci = lax.broadcasted_iota(jnp.int32, (gw, gw), 1) // winsz
    mask = ri == ci
    outs = []
    for g in range(T // G):
        r0 = g * gw
        head_outs = []
        for hh in range(NUM_HEADS):
            c0 = hh * PH
            qh = qkvb[r0:r0 + gw, c0:c0 + PH]
            kh = qkvb[r0:r0 + gw, PC2 + c0:PC2 + c0 + PH]
            vh = qkvb[r0:r0 + gw, 2 * PC2 + c0:2 * PC2 + c0 + PH]
            s = lax.dot_general(qh, kh, (((1,), (1,)), ((), ())),
                                preferred_element_type=jnp.float32) * scale
            s = jnp.where(mask, s, -1e30)
            s = s - jnp.max(s, axis=-1, keepdims=True)
            e = jnp.exp(s)
            p = e / jnp.sum(e, axis=-1, keepdims=True)
            head_outs.append(
                jnp.dot(_bf(p), vh, preferred_element_type=jnp.float32))
        outs.append(jnp.concatenate(head_outs, axis=1))
    attn = jnp.concatenate(outs, axis=0)
    xf2 = _bf(h + attn)
    proj = _gelu(
        jnp.dot(xf2, pw[...], preferred_element_type=jnp.float32) + pb[...])
    o_ref[...] = x0 + xln + proj


def _scatter_body(idx_ref, rows_ref, xw_ref, o_ref):
    o_ref[...] = rows_ref[...].reshape(1, WSZ * WSZ, C)


def _refine_block_pallas(x_nhwc, unc, shift_direct, p):
    wsz = WSZ
    s2 = wsz // 2
    if shift_direct == 1:
        x_nhwc = jnp.pad(x_nhwc, ((0, 0), (0, 0), (s2, s2), (0, 0)))
        unc = jnp.pad(unc, ((0, 0), (0, 0), (s2, s2)))
    elif shift_direct == 2:
        x_nhwc = jnp.pad(x_nhwc, ((0, 0), (s2, s2), (0, 0), (0, 0)))
        unc = jnp.pad(unc, ((0, 0), (s2, s2), (0, 0)))
    elif shift_direct == 3:
        x_nhwc = jnp.pad(x_nhwc, ((0, 0), (s2, s2), (s2, s2), (0, 0)))
        unc = jnp.pad(unc, ((0, 0), (s2, s2), (s2, s2)))
    B, H, W, Cc = x_nhwc.shape
    nH, nW = H // wsz, W // wsz
    nWin = nH * nW
    winsz = wsz * wsz
    nWF = int(nWin * FILTER_RATE)

    score = unc.reshape(B, nH, wsz, nW, wsz).mean(axis=(2, 4))
    _, idx = lax.top_k(score.reshape(B, nWin), nWF)
    idx = (idx + jnp.arange(B, dtype=idx.dtype)[:, None] * nWin).reshape(-1)
    S = B * nWF
    Sp = ((S + T - 1) // T) * T
    idx_p = jnp.concatenate(
        [idx, jnp.broadcast_to(idx[-1:], (Sp - S,))]) if Sp > S else idx
    idx_p = idx_p.astype(jnp.int32)

    x_win = jnp.swapaxes(
        x_nhwc.reshape(B, nH, wsz, nW, wsz, Cc), 2, 3).reshape(
            B * nWin, winsz, Cc)

    def win_map(i, idxr, j=0):
        return (idxr[i * T + j], 0, 0)

    win_specs = [
        pl.BlockSpec((1, winsz, Cc), functools.partial(win_map, j=j))
        for j in range(T)
    ]
    C2 = Cc * CR
    hd = C2 // NUM_HEADS

    def pad_cols(w):
        parts = []
        for hh in range(NUM_HEADS):
            parts.append(w[..., hh * hd:(hh + 1) * hd])
            parts.append(jnp.zeros(w.shape[:-1] + (PH - hd,), w.dtype))
        return jnp.concatenate(parts, axis=-1)

    def pad_rows(w):
        parts = []
        for hh in range(NUM_HEADS):
            parts.append(w[hh * hd:(hh + 1) * hd, :])
            parts.append(jnp.zeros((PH - hd,) + w.shape[1:], w.dtype))
        return jnp.concatenate(parts, axis=0)

    lin_wp = _bf(pad_cols(p['lin_w']))
    lin_bp = pad_cols(p['lin_b']).reshape(1, PC2)
    qw = p['qkv_w']
    qkv_wp = _bf(jnp.concatenate(
        [pad_rows(pad_cols(qw[:, t * C2:(t + 1) * C2])) for t in range(3)],
        axis=1))
    qb = p['qkv_b']
    qkv_bp = jnp.concatenate(
        [pad_cols(qb[t * C2:(t + 1) * C2]) for t in range(3)]).reshape(
            1, 3 * PC2)
    proj_wp = _bf(pad_rows(p['proj_w']))

    def const2(i, idxr):
        return (0, 0)

    wt_specs = [
        pl.BlockSpec((1, Cc), const2),
        pl.BlockSpec((1, Cc), const2),
        pl.BlockSpec((Cc, PC2), const2),
        pl.BlockSpec((1, PC2), const2),
        pl.BlockSpec((PC2, 3 * PC2), const2),
        pl.BlockSpec((1, 3 * PC2), const2),
        pl.BlockSpec((PC2, Cc), const2),
        pl.BlockSpec((1, Cc), const2),
    ]
    compact = pl.pallas_call(
        _compute_body,
        grid_spec=pltpu.PrefetchScalarGridSpec(
            num_scalar_prefetch=1,
            grid=(Sp // T,),
            in_specs=win_specs + wt_specs,
            out_specs=pl.BlockSpec((T * winsz, Cc), lambda i, idxr: (i, 0)),
        ),
        out_shape=jax.ShapeDtypeStruct((Sp * winsz, Cc), jnp.float32),
    )(idx_p, *([x_win] * T),
      p['norm_g'].reshape(1, Cc), p['norm_b'].reshape(1, Cc),
      lin_wp, lin_bp, qkv_wp, qkv_bp,
      proj_wp, p['proj_b'].reshape(1, Cc))

    x_win_new = pl.pallas_call(
        _scatter_body,
        grid_spec=pltpu.PrefetchScalarGridSpec(
            num_scalar_prefetch=1,
            grid=(S,),
            in_specs=[
                pl.BlockSpec((winsz, Cc), lambda i, idxr: (i, 0)),
                pl.BlockSpec(memory_space=pl.ANY),
            ],
            out_specs=pl.BlockSpec(
                (1, winsz, Cc), lambda i, idxr: (idxr[i], 0, 0)),
        ),
        out_shape=jax.ShapeDtypeStruct(x_win.shape, jnp.float32),
        input_output_aliases={2: 0},
    )(idx_p, compact, x_win)

    x_nhwc = jnp.swapaxes(
        x_win_new.reshape(B, nH, nW, wsz, wsz, Cc), 2, 3).reshape(
            B, H, W, Cc)
    if shift_direct == 1:
        x_nhwc = x_nhwc[:, :, s2:-s2, :]
    elif shift_direct == 2:
        x_nhwc = x_nhwc[:, s2:-s2, :, :]
    elif shift_direct == 3:
        x_nhwc = x_nhwc[:, s2:-s2, s2:-s2, :]
    return x_nhwc


def _sep_conv_bn_relu6_nhwc(x, dw, pw, g, b, m, v):
    dwt = jnp.transpose(dw, (2, 3, 1, 0))
    pwt = jnp.transpose(pw, (2, 3, 1, 0))
    y = lax.conv_general_dilated(
        x, dwt, (1, 1), [(3, 3), (3, 3)],
        dimension_numbers=('NHWC', 'HWIO', 'NHWC'),
        feature_group_count=x.shape[-1])
    y = lax.conv_general_dilated(
        y, pwt, (1, 1), [(0, 0), (0, 0)],
        dimension_numbers=('NHWC', 'HWIO', 'NHWC'))
    y = (y - m) * lax.rsqrt(v + 1e-5)
    y = y * g + b
    return jnp.clip(y, 0.0, 6.0)


def kernel(feature_map, coarse_pred, params):
    x = jnp.transpose(feature_map, (0, 2, 3, 1))
    x = _sep_conv_bn_relu6_nhwc(
        x, params['conv_in_dw'], params['conv_in_pw'],
        params['conv_in_bn_g'], params['conv_in_bn_b'],
        params['conv_in_bn_m'], params['conv_in_bn_v'])
    probs = jax.nn.softmax(coarse_pred, axis=1)
    unc = 1.0 - probs.max(axis=1)
    for i in range(NUM_BLOCKS):
        if i != 0:
            x = _sep_conv_bn_relu6_nhwc(
                x, params['conv_%d_dw' % i], params['conv_%d_pw' % i],
                params['conv_%d_bn_g' % i], params['conv_%d_bn_b' % i],
                params['conv_%d_bn_m' % i], params['conv_%d_bn_v' % i])
        pre = 'blk%d_' % i
        p = {k[len(pre):]: v for k, v in params.items() if k.startswith(pre)}
        x = _refine_block_pallas(x, unc, i % 4, p)
    return jnp.transpose(x, (0, 3, 1, 2))

# --- scband reference (transcript-rebuilt; emitter-appended) ---
"""Pipeline reference for scband-refine-vit-layer-24644522344932 (READ-ONLY COPY).

The authoritative reference and input builder live on the scoring server;
editing this copy changes nothing except your own understanding.
"""

import jax, jax.numpy as jnp
import numpy as np
from jax import lax

WSZ = 8
NUM_HEADS = 2
CR = 2
FILTER_RATE = 0.3
NUM_BLOCKS = 2
C = 96


def _layer_norm(x, g, b):
    mu = jnp.mean(x, axis=-1, keepdims=True)
    var = jnp.var(x, axis=-1, keepdims=True)
    return (x - mu) / jnp.sqrt(var + 1e-5) * g + b


def _sep_conv_bn_relu6(x, dw, pw, g, b, m, v):
    y = lax.conv_general_dilated(x, dw, (1, 1), [(3, 3), (3, 3)],
                                 dimension_numbers=('NCHW', 'OIHW', 'NCHW'),
                                 feature_group_count=x.shape[1])
    y = lax.conv_general_dilated(y, pw, (1, 1), [(0, 0), (0, 0)],
                                 dimension_numbers=('NCHW', 'OIHW', 'NCHW'))
    y = (y - m[None, :, None, None]) / jnp.sqrt(v[None, :, None, None] + 1e-5)
    y = y * g[None, :, None, None] + b[None, :, None, None]
    return jnp.clip(y, 0.0, 6.0)


def _refine_block(x, unc, shift_direct, p):
    wsz = WSZ
    s2 = wsz // 2
    if shift_direct == 1:
        x = jnp.pad(x, ((0, 0), (0, 0), (0, 0), (s2, s2)))
        unc = jnp.pad(unc, ((0, 0), (0, 0), (s2, s2)))
    elif shift_direct == 2:
        x = jnp.pad(x, ((0, 0), (0, 0), (s2, s2), (0, 0)))
        unc = jnp.pad(unc, ((0, 0), (s2, s2), (0, 0)))
    elif shift_direct == 3:
        x = jnp.pad(x, ((0, 0), (0, 0), (s2, s2), (s2, s2)))
        unc = jnp.pad(unc, ((0, 0), (s2, s2), (s2, s2)))
    B, Cc, H, W = x.shape
    nH, nW = H // wsz, W // wsz
    nWin = nH * nW
    winsz = wsz * wsz
    win_unc = jnp.swapaxes(unc.reshape(B, nH, wsz, nW, wsz), 2, 3).reshape(B, nWin, winsz)
    win_x = jnp.swapaxes(jnp.transpose(x, (0, 2, 3, 1)).reshape(B, nH, wsz, nW, wsz, Cc), 2, 3).reshape(B * nWin, winsz, Cc)
    win_score = win_unc.mean(-1)
    nWF = int(nWin * FILTER_RATE)
    _, idx = lax.top_k(win_score, nWF)
    idx = idx + jnp.arange(B, dtype=idx.dtype)[:, None] * nWin
    idx = idx.reshape(B * nWF)
    xf = jnp.take(win_x, idx, axis=0)
    xf = _layer_norm(xf, p['norm_g'], p['norm_b'])
    win_x_filter = xf
    C2 = Cc * CR
    xf = jax.nn.gelu(xf @ p['lin_w'] + p['lin_b'], approximate=False)
    qkv = xf @ p['qkv_w'] + p['qkv_b']
    qkv = qkv.reshape(B * nWF, winsz, 3, NUM_HEADS, C2 // NUM_HEADS)
    qkv = jnp.transpose(qkv, (2, 0, 3, 1, 4))
    q, k, v = qkv[0], qkv[1], qkv[2]
    scale = (Cc // NUM_HEADS) ** (-0.5)
    attn = jax.nn.softmax((q @ jnp.swapaxes(k, -2, -1)) * scale, axis=-1)
    xf = xf + jnp.swapaxes(attn @ v, 1, 2).reshape(B * nWF, winsz, C2)
    out_f = win_x_filter + jax.nn.gelu(xf @ p['proj_w'] + p['proj_b'], approximate=False)
    win_x = win_x.at[idx].add(out_f)
    x = jnp.swapaxes(win_x.reshape(B, nH, nW, wsz, wsz, Cc), 2, 3).reshape(B, H, W, Cc)
    x = jnp.transpose(x, (0, 3, 1, 2))
    if shift_direct == 1:
        x = x[:, :, :, s2:-s2]
    elif shift_direct == 2:
        x = x[:, :, s2:-s2, :]
    elif shift_direct == 3:
        x = x[:, :, s2:-s2, s2:-s2]
    return x


def _forward(feature_map, coarse_pred, params):
    x = _sep_conv_bn_relu6(feature_map, params['conv_in_dw'], params['conv_in_pw'],
                           params['conv_in_bn_g'], params['conv_in_bn_b'],
                           params['conv_in_bn_m'], params['conv_in_bn_v'])
    probs = jax.nn.softmax(coarse_pred, axis=1)
    unc = 1.0 - probs.max(axis=1)
    for i in range(NUM_BLOCKS):
        if i != 0:
            x = _sep_conv_bn_relu6(x, params['conv_%d_dw' % i], params['conv_%d_pw' % i],
                                   params['conv_%d_bn_g' % i], params['conv_%d_bn_b' % i],
                                   params['conv_%d_bn_m' % i], params['conv_%d_bn_v' % i])
        pre = 'blk%d_' % i
        p = {k[len(pre):]: v for k, v in params.items() if k.startswith(pre)}
        x = _refine_block(x, unc, i % 4, p)
    return x


def setup_inputs(seed: int = 0):
    key = jax.random.key(seed)
    ks = jax.random.split(key, 16)
    B, H, W = 2, 384, 384
    n_cls = 19
    C2 = C * CR
    feature_map = jax.random.normal(ks[0], (B, C, H, W), dtype=jnp.float32)
    coarse_pred = jax.random.normal(ks[1], (B, n_cls, H, W), dtype=jnp.float32)
    params = {}
    ki = [2]
    def nk():
        k = ks[ki[0]]
        ki[0] += 1
        return k
    for name in ['conv_in', 'conv_1']:
        params[name + '_dw'] = jax.random.normal(nk(), (C, 1, 7, 7), jnp.float32) * 0.2
        params[name + '_pw'] = jax.random.normal(nk(), (C, C, 1, 1), jnp.float32) * 0.14
        params[name + '_bn_g'] = jnp.ones((C,), jnp.float32)
        params[name + '_bn_b'] = jnp.zeros((C,), jnp.float32)
        params[name + '_bn_m'] = jnp.zeros((C,), jnp.float32)
        params[name + '_bn_v'] = jnp.ones((C,), jnp.float32)
    for b in range(NUM_BLOCKS):
        pre = 'blk%d_' % b
        params[pre + 'norm_g'] = jnp.ones((C,), jnp.float32)
        params[pre + 'norm_b'] = jnp.zeros((C,), jnp.float32)
        params[pre + 'lin_w'] = jax.random.normal(nk(), (C, C2), jnp.float32) * 0.02
        params[pre + 'lin_b'] = jnp.zeros((C2,), jnp.float32)
        params[pre + 'qkv_w'] = jax.random.normal(nk(), (C2, 3 * C2), jnp.float32) * 0.02
        params[pre + 'qkv_b'] = jnp.zeros((3 * C2,), jnp.float32)
        params[pre + 'proj_w'] = jax.random.normal(nk(), (C2, C), jnp.float32) * 0.02
        params[pre + 'proj_b'] = jnp.zeros((C,), jnp.float32)
    return {'feature_map': feature_map, 'coarse_pred': coarse_pred, 'params': params}


def reference(feature_map, coarse_pred, params):
    return _forward(feature_map, coarse_pred, params)

if __name__ == "__main__":
    import jax
    _d = setup_inputs()
    print(jax.jit(kernel)(*tuple(_d.values())))

</pallas_src>

<mosaic_0001>
module attributes {stable_mosaic.version = 14 : i64} {
  func.func @_compute_body(%arg0: i32, %arg1: memref<1392xi32, #tpu.memory_space<smem>>, %arg2: memref<1x64x96xf32, #tpu.memory_space<vmem>>, %arg3: memref<1x64x96xf32, #tpu.memory_space<vmem>>, %arg4: memref<1x64x96xf32, #tpu.memory_space<vmem>>, %arg5: memref<1x64x96xf32, #tpu.memory_space<vmem>>, %arg6: memref<1x64x96xf32, #tpu.memory_space<vmem>>, %arg7: memref<1x64x96xf32, #tpu.memory_space<vmem>>, %arg8: memref<1x64x96xf32, #tpu.memory_space<vmem>>, %arg9: memref<1x64x96xf32, #tpu.memory_space<vmem>>, %arg10: memref<1x64x96xf32, #tpu.memory_space<vmem>>, %arg11: memref<1x64x96xf32, #tpu.memory_space<vmem>>, %arg12: memref<1x64x96xf32, #tpu.memory_space<vmem>>, %arg13: memref<1x64x96xf32, #tpu.memory_space<vmem>>, %arg14: memref<1x64x96xf32, #tpu.memory_space<vmem>>, %arg15: memref<1x64x96xf32, #tpu.memory_space<vmem>>, %arg16: memref<1x64x96xf32, #tpu.memory_space<vmem>>, %arg17: memref<1x64x96xf32, #tpu.memory_space<vmem>>, %arg18: memref<1x96xf32, #tpu.memory_space<vmem>>, %arg19: memref<1x96xf32, #tpu.memory_space<vmem>>, %arg20: memref<96x256xbf16, #tpu.memory_space<vmem>>, %arg21: memref<1x256xf32, #tpu.memory_space<vmem>>, %arg22: memref<256x768xbf16, #tpu.memory_space<vmem>>, %arg23: memref<1x768xf32, #tpu.memory_space<vmem>>, %arg24: memref<256x96xbf16, #tpu.memory_space<vmem>>, %arg25: memref<1x96xf32, #tpu.memory_space<vmem>>, %arg26: memref<1024x96xf32, #tpu.memory_space<vmem>>) attributes {dimension_semantics = [#tpu.dimension_semantics<arbitrary>], iteration_bounds = array<i64: 87>, scalar_prefetch = 1 : i64, scratch_operands = 0 : i64, tpu.core_type = #tpu.core_type<tc>, window_params = [{transform_indices = @transform_0, window_bounds = array<i64: 1, 64, 96>}, {transform_indices = @transform_1, window_bounds = array<i64: 1, 64, 96>}, {transform_indices = @transform_2, window_bounds = array<i64: 1, 64, 96>}, {transform_indices = @transform_3, window_bounds = array<i64: 1, 64, 96>}, {transform_indices = @transform_4, window_bounds = array<i64: 1, 64, 96>}, {transform_indices = @transform_5, window_bounds = array<i64: 1, 64, 96>}, {transform_indices = @transform_6, window_bounds = array<i64: 1, 64, 96>}, {transform_indices = @transform_7, window_bounds = array<i64: 1, 64, 96>}, {transform_indices = @transform_8, window_bounds = array<i64: 1, 64, 96>}, {transform_indices = @transform_9, window_bounds = array<i64: 1, 64, 96>}, {transform_indices = @transform_10, window_bounds = array<i64: 1, 64, 96>}, {transform_indices = @transform_11, window_bounds = array<i64: 1, 64, 96>}, {transform_indices = @transform_12, window_bounds = array<i64: 1, 64, 96>}, {transform_indices = @transform_13, window_bounds = array<i64: 1, 64, 96>}, {transform_indices = @transform_14, window_bounds = array<i64: 1, 64, 96>}, {transform_indices = @transform_15, window_bounds = array<i64: 1, 64, 96>}, {pipeline_mode = #tpu.pipeline_mode<synchronous>, transform_indices = @transform_16, window_bounds = array<i64: 1, 96>}, {pipeline_mode = #tpu.pipeline_mode<synchronous>, transform_indices = @transform_17, window_bounds = array<i64: 1, 96>}, {pipeline_mode = #tpu.pipeline_mode<synchronous>, transform_indices = @transform_18, window_bounds = array<i64: 96, 256>}, {pipeline_mode = #tpu.pipeline_mode<synchronous>, transform_indices = @transform_19, window_bounds = array<i64: 1, 256>}, {pipeline_mode = #tpu.pipeline_mode<synchronous>, transform_indices = @transform_20, window_bounds = array<i64: 256, 768>}, {pipeline_mode = #tpu.pipeline_mode<synchronous>, transform_indices = @transform_21, window_bounds = array<i64: 1, 768>}, {pipeline_mode = #tpu.pipeline_mode<synchronous>, transform_indices = @transform_22, window_bounds = array<i64: 256, 96>}, {pipeline_mode = #tpu.pipeline_mode<synchronous>, transform_indices = @transform_23, window_bounds = array<i64: 1, 96>}, {transform_indices = @transform_24, window_bounds = array<i64: 1024, 96>}]} {
    %get3A = arith.constant 0 : index
    %get3A_0 = arith.constant 0 : index
    %get3A_1 = arith.constant 0 : index
    %get3A_2 = vector.load %arg2[%get3A, %get3A_0, %get3A_1] : memref<1x64x96xf32, #tpu.memory_space<vmem>>, vector<1x64x96xf32>
    %reshape3A = vector.shape_cast %get3A_2 : vector<1x64x96xf32> to vector<64x96xf32>
    %get3A_3 = arith.constant 0 : index
    %get3A_4 = arith.constant 0 : index
    %get3A_5 = arith.constant 0 : index
    %get3A_6 = vector.load %arg3[%get3A_3, %get3A_4, %get3A_5] : memref<1x64x96xf32, #tpu.memory_space<vmem>>, vector<1x64x96xf32>
    %reshape3A_7 = vector.shape_cast %get3A_6 : vector<1x64x96xf32> to vector<64x96xf32>
    %get3A_8 = arith.constant 0 : index
    %get3A_9 = arith.constant 0 : index
    %get3A_10 = arith.constant 0 : index
    %get3A_11 = vector.load %arg4[%get3A_8, %get3A_9, %get3A_10] : memref<1x64x96xf32, #tpu.memory_space<vmem>>, vector<1x64x96xf32>
    %reshape3A_12 = vector.shape_cast %get3A_11 : vector<1x64x96xf32> to vector<64x96xf32>
    %get3A_13 = arith.constant 0 : index
    %get3A_14 = arith.constant 0 : index
    %get3A_15 = arith.constant 0 : index
    %get3A_16 = vector.load %arg5[%get3A_13, %get3A_14, %get3A_15] : memref<1x64x96xf32, #tpu.memory_space<vmem>>, vector<1x64x96xf32>
    %reshape3A_17 = vector.shape_cast %get3A_16 : vector<1x64x96xf32> to vector<64x96xf32>
    %get3A_18 = arith.constant 0 : index
    %get3A_19 = arith.constant 0 : index
    %get3A_20 = arith.constant 0 : index
    %get3A_21 = vector.load %arg6[%get3A_18, %get3A_19, %get3A_20] : memref<1x64x96xf32, #tpu.memory_space<vmem>>, vector<1x64x96xf32>
    %reshape3A_22 = vector.shape_cast %get3A_21 : vector<1x64x96xf32> to vector<64x96xf32>
    %get3A_23 = arith.constant 0 : index
    %get3A_24 = arith.constant 0 : index
    %get3A_25 = arith.constant 0 : index
    %get3A_26 = vector.load %arg7[%get3A_23, %get3A_24, %get3A_25] : memref<1x64x96xf32, #tpu.memory_space<vmem>>, vector<1x64x96xf32>
    %reshape3A_27 = vector.shape_cast %get3A_26 : vector<1x64x96xf32> to vector<64x96xf32>
    %get3A_28 = arith.constant 0 : index
    %get3A_29 = arith.constant 0 : index
    %get3A_30 = arith.constant 0 : index
    %get3A_31 = vector.load %arg8[%get3A_28, %get3A_29, %get3A_30] : memref<1x64x96xf32, #tpu.memory_space<vmem>>, vector<1x64x96xf32>
    %reshape3A_32 = vector.shape_cast %get3A_31 : vector<1x64x96xf32> to vector<64x96xf32>
    %get3A_33 = arith.constant 0 : index
    %get3A_34 = arith.constant 0 : index
    %get3A_35 = arith.constant 0 : index
    %get3A_36 = vector.load %arg9[%get3A_33, %get3A_34, %get3A_35] : memref<1x64x96xf32, #tpu.memory_space<vmem>>, vector<1x64x96xf32>
    %reshape3A_37 = vector.shape_cast %get3A_36 : vector<1x64x96xf32> to vector<64x96xf32>
    %get3A_38 = arith.constant 0 : index
    %get3A_39 = arith.constant 0 : index
    %get3A_40 = arith.constant 0 : index
    %get3A_41 = vector.load %arg10[%get3A_38, %get3A_39, %get3A_40] : memref<1x64x96xf32, #tpu.memory_space<vmem>>, vector<1x64x96xf32>
    %reshape3A_42 = vector.shape_cast %get3A_41 : vector<1x64x96xf32> to vector<64x96xf32>
    %get3A_43 = arith.constant 0 : index
    %get3A_44 = arith.constant 0 : index
    %get3A_45 = arith.constant 0 : index
    %get3A_46 = vector.load %arg11[%get3A_43, %get3A_44, %get3A_45] : memref<1x64x96xf32, #tpu.memory_space<vmem>>, vector<1x64x96xf32>
    %reshape3A_47 = vector.shape_cast %get3A_46 : vector<1x64x96xf32> to vector<64x96xf32>
    %get3A_48 = arith.constant 0 : index
    %get3A_49 = arith.constant 0 : index
    %get3A_50 = arith.constant 0 : index
    %get3A_51 = vector.load %arg12[%get3A_48, %get3A_49, %get3A_50] : memref<1x64x96xf32, #tpu.memory_space<vmem>>, vector<1x64x96xf32>
    %reshape3A_52 = vector.shape_cast %get3A_51 : vector<1x64x96xf32> to vector<64x96xf32>
    %get3A_53 = arith.constant 0 : index
    %get3A_54 = arith.constant 0 : index
    %get3A_55 = arith.constant 0 : index
    %get3A_56 = vector.load %arg13[%get3A_53, %get3A_54, %get3A_55] : memref<1x64x96xf32, #tpu.memory_space<vmem>>, vector<1x64x96xf32>
    %reshape3A_57 = vector.shape_cast %get3A_56 : vector<1x64x96xf32> to vector<64x96xf32>
    %get3A_58 = arith.constant 0 : index
    %get3A_59 = arith.constant 0 : index
    %get3A_60 = arith.constant 0 : index
    %get3A_61 = vector.load %arg14[%get3A_58, %get3A_59, %get3A_60] : memref<1x64x96xf32, #tpu.memory_space<vmem>>, vector<1x64x96xf32>
    %reshape3A_62 = vector.shape_cast %get3A_61 : vector<1x64x96xf32> to vector<64x96xf32>
    %get3A_63 = arith.constant 0 : index
    %get3A_64 = arith.constant 0 : index
    %get3A_65 = arith.constant 0 : index
    %get3A_66 = vector.load %arg15[%get3A_63, %get3A_64, %get3A_65] : memref<1x64x96xf32, #tpu.memory_space<vmem>>, vector<1x64x96xf32>
    %reshape3A_67 = vector.shape_cast %get3A_66 : vector<1x64x96xf32> to vector<64x96xf32>
    %get3A_68 = arith.constant 0 : index
    %get3A_69 = arith.constant 0 : index
    %get3A_70 = arith.constant 0 : index
    %get3A_71 = vector.load %arg16[%get3A_68, %get3A_69, %get3A_70] : memref<1x64x96xf32, #tpu.memory_space<vmem>>, vector<1x64x96xf32>
    %reshape3A_72 = vector.shape_cast %get3A_71 : vector<1x64x96xf32> to vector<64x96xf32>
    %get3A_73 = arith.constant 0 : index
    %get3A_74 = arith.constant 0 : index
    %get3A_75 = arith.constant 0 : index
    %get3A_76 = vector.load %arg17[%get3A_73, %get3A_74, %get3A_75] : memref<1x64x96xf32, #tpu.memory_space<vmem>>, vector<1x64x96xf32>
    %reshape3A_77 = vector.shape_cast %get3A_76 : vector<1x64x96xf32> to vector<64x96xf32>
    %concatenate3A = tpu.concatenate %reshape3A, %reshape3A_7, %reshape3A_12, %reshape3A_17, %reshape3A_22, %reshape3A_27, %reshape3A_32, %reshape3A_37, %reshape3A_42, %reshape3A_47, %reshape3A_52, %reshape3A_57, %reshape3A_62, %reshape3A_67, %reshape3A_72, %reshape3A_77 in 0 : vector<64x96xf32>, vector<64x96xf32>, vector<64x96xf32>, vector<64x96xf32>, vector<64x96xf32>, vector<64x96xf32>, vector<64x96xf32>, vector<64x96xf32>, vector<64x96xf32>, vector<64x96xf32>, vector<64x96xf32>, vector<64x96xf32>, vector<64x96xf32>, vector<64x96xf32>, vector<64x96xf32>, vector<64x96xf32> -> vector<1024x96xf32>
    %reduce_sum3A = arith.constant dense<0.000000e+00> : vector<1024xf32>
    %reduce_sum3A_78 = vector.multi_reduction <add>, %concatenate3A, %reduce_sum3A [1] : vector<1024x96xf32> to vector<1024xf32>
    %broadcast_in_dim3A = vector.shape_cast %reduce_sum3A_78 : vector<1024xf32> to vector<1024x1xf32>
    %div3A = arith.constant 9.600000e+01 : f32
    %div3A_79 = vector.broadcast %div3A : f32 to vector<1024x1xf32>
    %div3A_80 = arith.divf %broadcast_in_dim3A, %div3A_79 : vector<1024x1xf32>
    %sub3A = vector.broadcast %div3A_80 : vector<1024x1xf32> to vector<1024x96xf32>
    %sub3A_81 = arith.subf %concatenate3A, %sub3A : vector<1024x96xf32>
    %sub3A_82 = vector.broadcast %div3A_80 : vector<1024x1xf32> to vector<1024x96xf32>
    %sub3A_83 = arith.subf %concatenate3A, %sub3A_82 : vector<1024x96xf32>
    %mul3A = arith.mulf %sub3A_81, %sub3A_83 : vector<1024x96xf32>
    %reduce_sum3A_84 = arith.constant dense<0.000000e+00> : vector<1024xf32>
    %reduce_sum3A_85 = vector.multi_reduction <add>, %mul3A, %reduce_sum3A_84 [1] : vector<1024x96xf32> to vector<1024xf32>
    %broadcast_in_dim3A_86 = vector.shape_cast %reduce_sum3A_85 : vector<1024xf32> to vector<1024x1xf32>
    %div3A_87 = arith.constant 9.600000e+01 : f32
    %div3A_88 = vector.broadcast %div3A_87 : f32 to vector<1024x1xf32>
    %div3A_89 = arith.divf %broadcast_in_dim3A_86, %div3A_88 : vector<1024x1xf32>
    %sub3A_90 = vector.broadcast %div3A_80 : vector<1024x1xf32> to vector<1024x96xf32>
    %sub3A_91 = arith.subf %concatenate3A, %sub3A_90 : vector<1024x96xf32>
    %add3A = arith.constant 9.99999974E-6 : f32
    %add3A_92 = vector.broadcast %add3A : f32 to vector<1024x1xf32>
    %add3A_93 = arith.addf %div3A_89, %add3A_92 : vector<1024x1xf32>
    %rsqrt3A = math.rsqrt %add3A_93 : vector<1024x1xf32>
    %mul3A_94 = vector.broadcast %rsqrt3A : vector<1024x1xf32> to vector<1024x96xf32>
    %mul3A_95 = arith.mulf %sub3A_91, %mul3A_94 : vector<1024x96xf32>
    %get3A_96 = arith.constant 0 : index
    %get3A_97 = arith.constant 0 : index
    %get3A_98 = vector.load %arg18[%get3A_96, %get3A_97] : memref<1x96xf32, #tpu.memory_space<vmem>>, vector<1x96xf32>
    %mul3A_99 = vector.broadcast %get3A_98 : vector<1x96xf32> to vector<1024x96xf32>
    %mul3A_100 = arith.mulf %mul3A_95, %mul3A_99 : vector<1024x96xf32>
    %get3A_101 = arith.constant 0 : index
    %get3A_102 = arith.constant 0 : index
    %get3A_103 = vector.load %arg19[%get3A_101, %get3A_102] : memref<1x96xf32, #tpu.memory_space<vmem>>, vector<1x96xf32>
    %add3A_104 = vector.broadcast %get3A_103 : vector<1x96xf32> to vector<1024x96xf32>
    %add3A_105 = arith.addf %mul3A_100, %add3A_104 : vector<1024x96xf32>
    %convert_element_type3A = arith.truncf %add3A_105 : vector<1024x96xf32> to vector<1024x96xbf16>
    %get3A_106 = arith.constant 0 : index
    %get3A_107 = arith.constant 0 : index
    %get3A_108 = vector.load %arg20[%get3A_106, %get3A_107] : memref<96x256xbf16, #tpu.memory_space<vmem>>, vector<96x256xbf16>
    %dot_general3A = arith.constant dense<0.000000e+00> : vector<1024x256xf32>
    %dot_general3A_109 = tpu.matmul %convert_element_type3A, %get3A_108, %dot_general3A {dimension_numbers = #tpu.dot_dimension_numbers<[1], [0], [0], [1], [0, 0, 1, 1], [], []>, transpose_lhs_hint = false} : vector<1024x96xbf16>, vector<96x256xbf16>, vector<1024x256xf32> -> vector<1024x256xf32>
    %get3A_110 = arith.constant 0 : index
    %get3A_111 = arith.constant 0 : index
    %get3A_112 = vector.load %arg21[%get3A_110, %get3A_111] : memref<1x256xf32, #tpu.memory_space<vmem>>, vector<1x256xf32>
    %add3A_113 = vector.broadcast %get3A_112 : vector<1x256xf32> to vector<1024x256xf32>
    %add3A_114 = arith.addf %dot_general3A_109, %add3A_113 : vector<1024x256xf32>
    %mul3A_115 = arith.constant 5.000000e-01 : f32
    %mul3A_116 = vector.broadcast %mul3A_115 : f32 to vector<1024x256xf32>
    %mul3A_117 = arith.mulf %mul3A_116, %add3A_114 : vector<1024x256xf32>
    %mul3A_118 = arith.constant 0.707106769 : f32
    %mul3A_119 = vector.broadcast %mul3A_118 : f32 to vector<1024x256xf32>
    %mul3A_120 = arith.mulf %add3A_114, %mul3A_119 : vector<1024x256xf32>
    %erf3A = math.erf %mul3A_120 : vector<1024x256xf32>
    %add3A_121 = arith.constant 1.000000e+00 : f32
    %add3A_122 = vector.broadcast %add3A_121 : f32 to vector<1024x256xf32>
    %add3A_123 = arith.addf %add3A_122, %erf3A : vector<1024x256xf32>
    %mul3A_124 = arith.mulf %mul3A_117, %add3A_123 : vector<1024x256xf32>
    %convert_element_type3A_125 = arith.truncf %mul3A_124 : vector<1024x256xf32> to vector<1024x256xbf16>
    %get3A_126 = arith.constant 0 : index
    %get3A_127 = arith.constant 0 : index
    %get3A_128 = vector.load %arg22[%get3A_126, %get3A_127] : memref<256x768xbf16, #tpu.memory_space<vmem>>, vector<256x768xbf16>
    %dot_general3A_129 = arith.constant dense<0.000000e+00> : vector<1024x768xf32>
    %dot_general3A_130 = tpu.matmul %convert_element_type3A_125, %get3A_128, %dot_general3A_129 {dimension_numbers = #tpu.dot_dimension_numbers<[1], [0], [0], [1], [0, 0, 1, 1], [], []>, transpose_lhs_hint = false} : vector<1024x256xbf16>, vector<256x768xbf16>, vector<1024x768xf32> -> vector<1024x768xf32>
    %get3A_131 = arith.constant 0 : index
    %get3A_132 = arith.constant 0 : index
    %get3A_133 = vector.load %arg23[%get3A_131, %get3A_132] : memref<1x768xf32, #tpu.memory_space<vmem>>, vector<1x768xf32>
    %add3A_134 = vector.broadcast %get3A_133 : vector<1x768xf32> to vector<1024x768xf32>
    %add3A_135 = arith.addf %dot_general3A_130, %add3A_134 : vector<1024x768xf32>
    %convert_element_type3A_136 = arith.truncf %add3A_135 : vector<1024x768xf32> to vector<1024x768xbf16>
    %iota3A = tpu.iota {dimensions = array<i32: 0>} : vector<256x256xi32>
    %jit3A = arith.constant 64 : i32
    %div3A_137 = vector.broadcast %jit3A : i32 to vector<256x256xi32>
    %div3A_138 = arith.divsi %iota3A, %div3A_137 : vector<256x256xi32>
    %sign3A = arith.constant 0 : i32
    %sign3A_139 = vector.broadcast %sign3A : i32 to vector<256x256xi32>
    %sign3A_140 = arith.cmpi sgt, %iota3A, %sign3A_139 : vector<256x256xi32>
    %sign3A_141 = arith.extui %sign3A_140 : vector<256x256xi1> to vector<256x256xi32>
    %sign3A_142 = arith.constant 0 : i32
    %sign3A_143 = vector.broadcast %sign3A_142 : i32 to vector<256x256xi32>
    %sign3A_144 = arith.cmpi slt, %iota3A, %sign3A_143 : vector<256x256xi32>
    %sign3A_145 = arith.extui %sign3A_144 : vector<256x256xi1> to vector<256x256xi32>
    %sign3A_146 = arith.subi %sign3A_141, %sign3A_145 : vector<256x256xi32>
    %sign3A_147 = arith.constant 0 : i32
    %sign3A_148 = arith.cmpi sgt, %jit3A, %sign3A_147 : i32
    %sign3A_149 = arith.extui %sign3A_148 : i1 to i32
    %sign3A_150 = arith.constant 0 : i32
    %sign3A_151 = arith.cmpi slt, %jit3A, %sign3A_150 : i32
    %sign3A_152 = arith.extui %sign3A_151 : i1 to i32
    %sign3A_153 = arith.subi %sign3A_149, %sign3A_152 : i32
    %ne3A = vector.broadcast %sign3A_153 : i32 to vector<256x256xi32>
    %ne3A_154 = arith.cmpi ne, %sign3A_146, %ne3A : vector<256x256xi32>
    %rem3A = vector.broadcast %jit3A : i32 to vector<256x256xi32>
    %rem3A_155 = arith.remsi %iota3A, %rem3A : vector<256x256xi32>
    %ne3A_156 = arith.constant 0 : i32
    %ne3A_157 = vector.broadcast %ne3A_156 : i32 to vector<256x256xi32>
    %ne3A_158 = arith.cmpi ne, %rem3A_155, %ne3A_157 : vector<256x256xi32>
    %and3A = arith.andi %ne3A_154, %ne3A_158 : vector<256x256xi1>
    %sub3A_159 = arith.constant 1 : i32
    %sub3A_160 = vector.broadcast %sub3A_159 : i32 to vector<256x256xi32>
    %sub3A_161 = arith.subi %div3A_138, %sub3A_160 : vector<256x256xi32>
    %select_n3A = arith.select %and3A, %sub3A_161, %div3A_138 : vector<256x256xi1>, vector<256x256xi32>
    %iota3A_162 = tpu.iota {dimensions = array<i32: 1>} : vector<256x256xi32>
    %jit3A_163 = arith.constant 64 : i32
    %div3A_164 = vector.broadcast %jit3A_163 : i32 to vector<256x256xi32>
    %div3A_165 = arith.divsi %iota3A_162, %div3A_164 : vector<256x256xi32>
    %sign3A_166 = arith.constant 0 : i32
    %sign3A_167 = vector.broadcast %sign3A_166 : i32 to vector<256x256xi32>
    %sign3A_168 = arith.cmpi sgt, %iota3A_162, %sign3A_167 : vector<256x256xi32>
    %sign3A_169 = arith.extui %sign3A_168 : vector<256x256xi1> to vector<256x256xi32>
    %sign3A_170 = arith.constant 0 : i32
    %sign3A_171 = vector.broadcast %sign3A_170 : i32 to vector<256x256xi32>
    %sign3A_172 = arith.cmpi slt, %iota3A_162, %sign3A_171 : vector<256x256xi32>
    %sign3A_173 = arith.extui %sign3A_172 : vector<256x256xi1> to vector<256x256xi32>
    %sign3A_174 = arith.subi %sign3A_169, %sign3A_173 : vector<256x256xi32>
    %sign3A_175 = arith.constant 0 : i32
    %sign3A_176 = arith.cmpi sgt, %jit3A_163, %sign3A_175 : i32
    %sign3A_177 = arith.extui %sign3A_176 : i1 to i32
    %sign3A_178 = arith.constant 0 : i32
    %sign3A_179 = arith.cmpi slt, %jit3A_163, %sign3A_178 : i32
    %sign3A_180 = arith.extui %sign3A_179 : i1 to i32
    %sign3A_181 = arith.subi %sign3A_177, %sign3A_180 : i32
    %ne3A_182 = vector.broadcast %sign3A_181 : i32 to vector<256x256xi32>
    %ne3A_183 = arith.cmpi ne, %sign3A_174, %ne3A_182 : vector<256x256xi32>
    %rem3A_184 = vector.broadcast %jit3A_163 : i32 to vector<256x256xi32>
    %rem3A_185 = arith.remsi %iota3A_162, %rem3A_184 : vector<256x256xi32>
    %ne3A_186 = arith.constant 0 : i32
    %ne3A_187 = vector.broadcast %ne3A_186 : i32 to vector<256x256xi32>
    %ne3A_188 = arith.cmpi ne, %rem3A_185, %ne3A_187 : vector<256x256xi32>
    %and3A_189 = arith.andi %ne3A_183, %ne3A_188 : vector<256x256xi1>
    %sub3A_190 = arith.constant 1 : i32
    %sub3A_191 = vector.broadcast %sub3A_190 : i32 to vector<256x256xi32>
    %sub3A_192 = arith.subi %div3A_165, %sub3A_191 : vector<256x256xi32>
    %select_n3A_193 = arith.select %and3A_189, %sub3A_192, %div3A_165 : vector<256x256xi1>, vector<256x256xi32>
    %eq3A = arith.cmpi eq, %select_n3A, %select_n3A_193 : vector<256x256xi32>
    %slice3A = vector.extract_strided_slice %convert_element_type3A_136 {offsets = [0, 0], sizes = [256, 128], strides = [1, 1]} : vector<1024x768xbf16> to vector<256x128xbf16>
    %slice3A_194 = vector.extract_strided_slice %convert_element_type3A_136 {offsets = [0, 256], sizes = [256, 128], strides = [1, 1]} : vector<1024x768xbf16> to vector<256x128xbf16>
    %slice3A_195 = vector.extract_strided_slice %convert_element_type3A_136 {offsets = [0, 512], sizes = [256, 128], strides = [1, 1]} : vector<1024x768xbf16> to vector<256x128xbf16>
    %dot_general3A_196 = arith.constant dense<0.000000e+00> : vector<256x256xf32>
    %dot_general3A_197 = tpu.matmul %slice3A, %slice3A_194, %dot_general3A_196 {dimension_numbers = #tpu.dot_dimension_numbers<[1], [1], [0], [0], [0, 0, 1, 0], [], []>, transpose_lhs_hint = false} : vector<256x128xbf16>, vector<256x128xbf16>, vector<256x256xf32> -> vector<256x256xf32>
    %mul3A_198 = arith.constant 0.144337565 : f32
    %mul3A_199 = vector.broadcast %mul3A_198 : f32 to vector<256x256xf32>
    %mul3A_200 = arith.mulf %dot_general3A_197, %mul3A_199 : vector<256x256xf32>
    %jit3A_201 = arith.constant -1.000000e+30 : f32
    %broadcast_in_dim3A_202 = vector.broadcast %jit3A_201 : f32 to vector<256x256xf32>
    %select_n3A_203 = arith.select %eq3A, %mul3A_200, %broadcast_in_dim3A_202 : vector<256x256xi1>, vector<256x256xf32>
    %reduce_max3A = arith.constant dense<0xFF800000> : vector<256xf32>
    %reduce_max3A_204 = vector.multi_reduction <maximumf>, %select_n3A_203, %reduce_max3A [1] : vector<256x256xf32> to vector<256xf32>
    %broadcast_in_dim3A_205 = vector.shape_cast %reduce_max3A_204 : vector<256xf32> to vector<256x1xf32>
    %sub3A_206 = vector.broadcast %broadcast_in_dim3A_205 : vector<256x1xf32> to vector<256x256xf32>
    %sub3A_207 = arith.subf %select_n3A_203, %sub3A_206 : vector<256x256xf32>
    %exp3A = math.exp %sub3A_207 : vector<256x256xf32>
    %reduce_sum3A_208 = arith.constant dense<0.000000e+00> : vector<256xf32>
    %reduce_sum3A_209 = vector.multi_reduction <add>, %exp3A, %reduce_sum3A_208 [1] : vector<256x256xf32> to vector<256xf32>
    %broadcast_in_dim3A_210 = vector.shape_cast %reduce_sum3A_209 : vector<256xf32> to vector<256x1xf32>
    %div3A_211 = vector.broadcast %broadcast_in_dim3A_210 : vector<256x1xf32> to vector<256x256xf32>
    %div3A_212 = arith.divf %exp3A, %div3A_211 : vector<256x256xf32>
    %convert_element_type3A_213 = arith.truncf %div3A_212 : vector<256x256xf32> to vector<256x256xbf16>
    %dot_general3A_214 = arith.constant dense<0.000000e+00> : vector<256x128xf32>
    %dot_general3A_215 = tpu.matmul %convert_element_type3A_213, %slice3A_195, %dot_general3A_214 {dimension_numbers = #tpu.dot_dimension_numbers<[1], [0], [0], [1], [0, 0, 1, 1], [], []>, transpose_lhs_hint = false} : vector<256x256xbf16>, vector<256x128xbf16>, vector<256x128xf32> -> vector<256x128xf32>
    %slice3A_216 = vector.extract_strided_slice %convert_element_type3A_136 {offsets = [0, 128], sizes = [256, 128], strides = [1, 1]} : vector<1024x768xbf16> to vector<256x128xbf16>
    %slice3A_217 = vector.extract_strided_slice %convert_element_type3A_136 {offsets = [0, 384], sizes = [256, 128], strides = [1, 1]} : vector<1024x768xbf16> to vector<256x128xbf16>
    %slice3A_218 = vector.extract_strided_slice %convert_element_type3A_136 {offsets = [0, 640], sizes = [256, 128], strides = [1, 1]} : vector<1024x768xbf16> to vector<256x128xbf16>
    %dot_general3A_219 = arith.constant dense<0.000000e+00> : vector<256x256xf32>
    %dot_general3A_220 = tpu.matmul %slice3A_216, %slice3A_217, %dot_general3A_219 {dimension_numbers = #tpu.dot_dimension_numbers<[1], [1], [0], [0], [0, 0, 1, 0], [], []>, transpose_lhs_hint = false} : vector<256x128xbf16>, vector<256x128xbf16>, vector<256x256xf32> -> vector<256x256xf32>
    %mul3A_221 = arith.constant 0.144337565 : f32
    %mul3A_222 = vector.broadcast %mul3A_221 : f32 to vector<256x256xf32>
    %mul3A_223 = arith.mulf %dot_general3A_220, %mul3A_222 : vector<256x256xf32>
    %jit3A_224 = arith.constant -1.000000e+30 : f32
    %broadcast_in_dim3A_225 = vector.broadcast %jit3A_224 : f32 to vector<256x256xf32>
    %select_n3A_226 = arith.select %eq3A, %mul3A_223, %broadcast_in_dim3A_225 : vector<256x256xi1>, vector<256x256xf32>
    %reduce_max3A_227 = arith.constant dense<0xFF800000> : vector<256xf32>
    %reduce_max3A_228 = vector.multi_reduction <maximumf>, %select_n3A_226, %reduce_max3A_227 [1] : vector<256x256xf32> to vector<256xf32>
    %broadcast_in_dim3A_229 = vector.shape_cast %reduce_max3A_228 : vector<256xf32> to vector<256x1xf32>
    %sub3A_230 = vector.broadcast %broadcast_in_dim3A_229 : vector<256x1xf32> to vector<256x256xf32>
    %sub3A_231 = arith.subf %select_n3A_226, %sub3A_230 : vector<256x256xf32>
    %exp3A_232 = math.exp %sub3A_231 : vector<256x256xf32>
    %reduce_sum3A_233 = arith.constant dense<0.000000e+00> : vector<256xf32>
    %reduce_sum3A_234 = vector.multi_reduction <add>, %exp3A_232, %reduce_sum3A_233 [1] : vector<256x256xf32> to vector<256xf32>
    %broadcast_in_dim3A_235 = vector.shape_cast %reduce_sum3A_234 : vector<256xf32> to vector<256x1xf32>
    %div3A_236 = vector.broadcast %broadcast_in_dim3A_235 : vector<256x1xf32> to vector<256x256xf32>
    %div3A_237 = arith.divf %exp3A_232, %div3A_236 : vector<256x256xf32>
    %convert_element_type3A_238 = arith.truncf %div3A_237 : vector<256x256xf32> to vector<256x256xbf16>
    %dot_general3A_239 = arith.constant dense<0.000000e+00> : vector<256x128xf32>
    %dot_general3A_240 = tpu.matmul %convert_element_type3A_238, %slice3A_218, %dot_general3A_239 {dimension_numbers = #tpu.dot_dimension_numbers<[1], [0], [0], [1], [0, 0, 1, 1], [], []>, transpose_lhs_hint = false} : vector<256x256xbf16>, vector<256x128xbf16>, vector<256x128xf32> -> vector<256x128xf32>
    %concatenate3A_241 = tpu.concatenate %dot_general3A_215, %dot_general3A_240 in 1 : vector<256x128xf32>, vector<256x128xf32> -> vector<256x256xf32>
    %slice3A_242 = vector.extract_strided_slice %convert_element_type3A_136 {offsets = [256, 0], sizes = [256, 128], strides = [1, 1]} : vector<1024x768xbf16> to vector<256x128xbf16>
    %slice3A_243 = vector.extract_strided_slice %convert_element_type3A_136 {offsets = [256, 256], sizes = [256, 128], strides = [1, 1]} : vector<1024x768xbf16> to vector<256x128xbf16>
    %slice3A_244 = vector.extract_strided_slice %convert_element_type3A_136 {offsets = [256, 512], sizes = [256, 128], strides = [1, 1]} : vector<1024x768xbf16> to vector<256x128xbf16>
    %dot_general3A_245 = arith.constant dense<0.000000e+00> : vector<256x256xf32>
    %dot_general3A_246 = tpu.matmul %slice3A_242, %slice3A_243, %dot_general3A_245 {dimension_numbers = #tpu.dot_dimension_numbers<[1], [1], [0], [0], [0, 0, 1, 0], [], []>, transpose_lhs_hint = false} : vector<256x128xbf16>, vector<256x128xbf16>, vector<256x256xf32> -> vector<256x256xf32>
    %mul3A_247 = arith.constant 0.144337565 : f32
    %mul3A_248 = vector.broadcast %mul3A_247 : f32 to vector<256x256xf32>
    %mul3A_249 = arith.mulf %dot_general3A_246, %mul3A_248 : vector<256x256xf32>
    %jit3A_250 = arith.constant -1.000000e+30 : f32
    %broadcast_in_dim3A_251 = vector.broadcast %jit3A_250 : f32 to vector<256x256xf32>
    %select_n3A_252 = arith.select %eq3A, %mul3A_249, %broadcast_in_dim3A_251 : vector<256x256xi1>, vector<256x256xf32>
    %reduce_max3A_253 = arith.constant dense<0xFF800000> : vector<256xf32>
    %reduce_max3A_254 = vector.multi_reduction <maximumf>, %select_n3A_252, %reduce_max3A_253 [1] : vector<256x256xf32> to vector<256xf32>
    %broadcast_in_dim3A_255 = vector.shape_cast %reduce_max3A_254 : vector<256xf32> to vector<256x1xf32>
    %sub3A_256 = vector.broadcast %broadcast_in_dim3A_255 : vector<256x1xf32> to vector<256x256xf32>
    %sub3A_257 = arith.subf %select_n3A_252, %sub3A_256 : vector<256x256xf32>
    %exp3A_258 = math.exp %sub3A_257 : vector<256x256xf32>
    %reduce_sum3A_259 = arith.constant dense<0.000000e+00> : vector<256xf32>
    %reduce_sum3A_260 = vector.multi_reduction <add>, %exp3A_258, %reduce_sum3A_259 [1] : vector<256x256xf32> to vector<256xf32>
    %broadcast_in_dim3A_261 = vector.shape_cast %reduce_sum3A_260 : vector<256xf32> to vector<256x1xf32>
    %div3A_262 = vector.broadcast %broadcast_in_dim3A_261 : vector<256x1xf32> to vector<256x256xf32>
    %div3A_263 = arith.divf %exp3A_258, %div3A_262 : vector<256x256xf32>
    %convert_element_type3A_264 = arith.truncf %div3A_263 : vector<256x256xf32> to vector<256x256xbf16>
    %dot_general3A_265 = arith.constant dense<0.000000e+00> : vector<256x128xf32>
    %dot_general3A_266 = tpu.matmul %convert_element_type3A_264, %slice3A_244, %dot_general3A_265 {dimension_numbers = #tpu.dot_dimension_numbers<[1], [0], [0], [1], [0, 0, 1, 1], [], []>, transpose_lhs_hint = false} : vector<256x256xbf16>, vector<256x128xbf16>, vector<256x128xf32> -> vector<256x128xf32>
    %slice3A_267 = vector.extract_strided_slice %convert_element_type3A_136 {offsets = [256, 128], sizes = [256, 128], strides = [1, 1]} : vector<1024x768xbf16> to vector<256x128xbf16>
    %slice3A_268 = vector.extract_strided_slice %convert_element_type3A_136 {offsets = [256, 384], sizes = [256, 128], strides = [1, 1]} : vector<1024x768xbf16> to vector<256x128xbf16>
    %slice3A_269 = vector.extract_strided_slice %convert_element_type3A_136 {offsets = [256, 640], sizes = [256, 128], strides = [1, 1]} : vector<1024x768xbf16> to vector<256x128xbf16>
    %dot_general3A_270 = arith.constant dense<0.000000e+00> : vector<256x256xf32>
    %dot_general3A_271 = tpu.matmul %slice3A_267, %slice3A_268, %dot_general3A_270 {dimension_numbers = #tpu.dot_dimension_numbers<[1], [1], [0], [0], [0, 0, 1, 0], [], []>, transpose_lhs_hint = false} : vector<256x128xbf16>, vector<256x128xbf16>, vector<256x256xf32> -> vector<256x256xf32>
    %mul3A_272 = arith.constant 0.144337565 : f32
    %mul3A_273 = vector.broadcast %mul3A_272 : f32 to vector<256x256xf32>
    %mul3A_274 = arith.mulf %dot_general3A_271, %mul3A_273 : vector<256x256xf32>
    %jit3A_275 = arith.constant -1.000000e+30 : f32
    %broadcast_in_dim3A_276 = vector.broadcast %jit3A_275 : f32 to vector<256x256xf32>
    %select_n3A_277 = arith.select %eq3A, %mul3A_274, %broadcast_in_dim3A_276 : vector<256x256xi1>, vector<256x256xf32>
    %reduce_max3A_278 = arith.constant dense<0xFF800000> : vector<256xf32>
    %reduce_max3A_279 = vector.multi_reduction <maximumf>, %select_n3A_277, %reduce_max3A_278 [1] : vector<256x256xf32> to vector<256xf32>
    %broadcast_in_dim3A_280 = vector.shape_cast %reduce_max3A_279 : vector<256xf32> to vector<256x1xf32>
    %sub3A_281 = vector.broadcast %broadcast_in_dim3A_280 : vector<256x1xf32> to vector<256x256xf32>
    %sub3A_282 = arith.subf %select_n3A_277, %sub3A_281 : vector<256x256xf32>
    %exp3A_283 = math.exp %sub3A_282 : vector<256x256xf32>
    %reduce_sum3A_284 = arith.constant dense<0.000000e+00> : vector<256xf32>
    %reduce_sum3A_285 = vector.multi_reduction <add>, %exp3A_283, %reduce_sum3A_284 [1] : vector<256x256xf32> to vector<256xf32>
    %broadcast_in_dim3A_286 = vector.shape_cast %reduce_sum3A_285 : vector<256xf32> to vector<256x1xf32>
    %div3A_287 = vector.broadcast %broadcast_in_dim3A_286 : vector<256x1xf32> to vector<256x256xf32>
    %div3A_288 = arith.divf %exp3A_283, %div3A_287 : vector<256x256xf32>
    %convert_element_type3A_289 = arith.truncf %div3A_288 : vector<256x256xf32> to vector<256x256xbf16>
    %dot_general3A_290 = arith.constant dense<0.000000e+00> : vector<256x128xf32>
    %dot_general3A_291 = tpu.matmul %convert_element_type3A_289, %slice3A_269, %dot_general3A_290 {dimension_numbers = #tpu.dot_dimension_numbers<[1], [0], [0], [1], [0, 0, 1, 1], [], []>, transpose_lhs_hint = false} : vector<256x256xbf16>, vector<256x128xbf16>, vector<256x128xf32> -> vector<256x128xf32>
    %concatenate3A_292 = tpu.concatenate %dot_general3A_266, %dot_general3A_291 in 1 : vector<256x128xf32>, vector<256x128xf32> -> vector<256x256xf32>
    %slice3A_293 = vector.extract_strided_slice %convert_element_type3A_136 {offsets = [512, 0], sizes = [256, 128], strides = [1, 1]} : vector<1024x768xbf16> to vector<256x128xbf16>
    %slice3A_294 = vector.extract_strided_slice %convert_element_type3A_136 {offsets = [512, 256], sizes = [256, 128], strides = [1, 1]} : vector<1024x768xbf16> to vector<256x128xbf16>
    %slice3A_295 = vector.extract_strided_slice %convert_element_type3A_136 {offsets = [512, 512], sizes = [256, 128], strides = [1, 1]} : vector<1024x768xbf16> to vector<256x128xbf16>
    %dot_general3A_296 = arith.constant dense<0.000000e+00> : vector<256x256xf32>
    %dot_general3A_297 = tpu.matmul %slice3A_293, %slice3A_294, %dot_general3A_296 {dimension_numbers = #tpu.dot_dimension_numbers<[1], [1], [0], [0], [0, 0, 1, 0], [], []>, transpose_lhs_hint = false} : vector<256x128xbf16>, vector<256x128xbf16>, vector<256x256xf32> -> vector<256x256xf32>
    %mul3A_298 = arith.constant 0.144337565 : f32
    %mul3A_299 = vector.broadcast %mul3A_298 : f32 to vector<256x256xf32>
    %mul3A_300 = arith.mulf %dot_general3A_297, %mul3A_299 : vector<256x256xf32>
    %jit3A_301 = arith.constant -1.000000e+30 : f32
    %broadcast_in_dim3A_302 = vector.broadcast %jit3A_301 : f32 to vector<256x256xf32>
    %select_n3A_303 = arith.select %eq3A, %mul3A_300, %broadcast_in_dim3A_302 : vector<256x256xi1>, vector<256x256xf32>
    %reduce_max3A_304 = arith.constant dense<0xFF800000> : vector<256xf32>
    %reduce_max3A_305 = vector.multi_reduction <maximumf>, %select_n3A_303, %reduce_max3A_304 [1] : vector<256x256xf32> to vector<256xf32>
    %broadcast_in_dim3A_306 = vector.shape_cast %reduce_max3A_305 : vector<256xf32> to vector<256x1xf32>
    %sub3A_307 = vector.broadcast %broadcast_in_dim3A_306 : vector<256x1xf32> to vector<256x256xf32>
    %sub3A_308 = arith.subf %select_n3A_303, %sub3A_307 : vector<256x256xf32>
    %exp3A_309 = math.exp %sub3A_308 : vector<256x256xf32>
    %reduce_sum3A_310 = arith.constant dense<0.000000e+00> : vector<256xf32>
    %reduce_sum3A_311 = vector.multi_reduction <add>, %exp3A_309, %reduce_sum3A_310 [1] : vector<256x256xf32> to vector<256xf32>
    %broadcast_in_dim3A_312 = vector.shape_cast %reduce_sum3A_311 : vector<256xf32> to vector<256x1xf32>
    %div3A_313 = vector.broadcast %broadcast_in_dim3A_312 : vector<256x1xf32> to vector<256x256xf32>
    %div3A_314 = arith.divf %exp3A_309, %div3A_313 : vector<256x256xf32>
    %convert_element_type3A_315 = arith.truncf %div3A_314 : vector<256x256xf32> to vector<256x256xbf16>
    %dot_general3A_316 = arith.constant dense<0.000000e+00> : vector<256x128xf32>
    %dot_general3A_317 = tpu.matmul %convert_element_type3A_315, %slice3A_295, %dot_general3A_316 {dimension_numbers = #tpu.dot_dimension_numbers<[1], [0], [0], [1], [0, 0, 1, 1], [], []>, transpose_lhs_hint = false} : vector<256x256xbf16>, vector<256x128xbf16>, vector<256x128xf32> -> vector<256x128xf32>
    %slice3A_318 = vector.extract_strided_slice %convert_element_type3A_136 {offsets = [512, 128], sizes = [256, 128], strides = [1, 1]} : vector<1024x768xbf16> to vector<256x128xbf16>
    %slice3A_319 = vector.extract_strided_slice %convert_element_type3A_136 {offsets = [512, 384], sizes = [256, 128], strides = [1, 1]} : vector<1024x768xbf16> to vector<256x128xbf16>
    %slice3A_320 = vector.extract_strided_slice %convert_element_type3A_136 {offsets = [512, 640], sizes = [256, 128], strides = [1, 1]} : vector<1024x768xbf16> to vector<256x128xbf16>
    %dot_general3A_321 = arith.constant dense<0.000000e+00> : vector<256x256xf32>
    %dot_general3A_322 = tpu.matmul %slice3A_318, %slice3A_319, %dot_general3A_321 {dimension_numbers = #tpu.dot_dimension_numbers<[1], [1], [0], [0], [0, 0, 1, 0], [], []>, transpose_lhs_hint = false} : vector<256x128xbf16>, vector<256x128xbf16>, vector<256x256xf32> -> vector<256x256xf32>
    %mul3A_323 = arith.constant 0.144337565 : f32
    %mul3A_324 = vector.broadcast %mul3A_323 : f32 to vector<256x256xf32>
    %mul3A_325 = arith.mulf %dot_general3A_322, %mul3A_324 : vector<256x256xf32>
    %jit3A_326 = arith.constant -1.000000e+30 : f32
    %broadcast_in_dim3A_327 = vector.broadcast %jit3A_326 : f32 to vector<256x256xf32>
    %select_n3A_328 = arith.select %eq3A, %mul3A_325, %broadcast_in_dim3A_327 : vector<256x256xi1>, vector<256x256xf32>
    %reduce_max3A_329 = arith.constant dense<0xFF800000> : vector<256xf32>
    %reduce_max3A_330 = vector.multi_reduction <maximumf>, %select_n3A_328, %reduce_max3A_329 [1] : vector<256x256xf32> to vector<256xf32>
    %broadcast_in_dim3A_331 = vector.shape_cast %reduce_max3A_330 : vector<256xf32> to vector<256x1xf32>
    %sub3A_332 = vector.broadcast %broadcast_in_dim3A_331 : vector<256x1xf32> to vector<256x256xf32>
    %sub3A_333 = arith.subf %select_n3A_328, %sub3A_332 : vector<256x256xf32>
    %exp3A_334 = math.exp %sub3A_333 : vector<256x256xf32>
    %reduce_sum3A_335 = arith.constant dense<0.000000e+00> : vector<256xf32>
    %reduce_sum3A_336 = vector.multi_reduction <add>, %exp3A_334, %reduce_sum3A_335 [1] : vector<256x256xf32> to vector<256xf32>
    %broadcast_in_dim3A_337 = vector.shape_cast %reduce_sum3A_336 : vector<256xf32> to vector<256x1xf32>
    %div3A_338 = vector.broadcast %broadcast_in_dim3A_337 : vector<256x1xf32> to vector<256x256xf32>
    %div3A_339 = arith.divf %exp3A_334, %div3A_338 : vector<256x256xf32>
    %convert_element_type3A_340 = arith.truncf %div3A_339 : vector<256x256xf32> to vector<256x256xbf16>
    %dot_general3A_341 = arith.constant dense<0.000000e+00> : vector<256x128xf32>
    %dot_general3A_342 = tpu.matmul %convert_element_type3A_340, %slice3A_320, %dot_general3A_341 {dimension_numbers = #tpu.dot_dimension_numbers<[1], [0], [0], [1], [0, 0, 1, 1], [], []>, transpose_lhs_hint = false} : vector<256x256xbf16>, vector<256x128xbf16>, vector<256x128xf32> -> vector<256x128xf32>
    %concatenate3A_343 = tpu.concatenate %dot_general3A_317, %dot_general3A_342 in 1 : vector<256x128xf32>, vector<256x128xf32> -> vector<256x256xf32>
    %slice3A_344 = vector.extract_strided_slice %convert_element_type3A_136 {offsets = [768, 0], sizes = [256, 128], strides = [1, 1]} : vector<1024x768xbf16> to vector<256x128xbf16>
    %slice3A_345 = vector.extract_strided_slice %convert_element_type3A_136 {offsets = [768, 256], sizes = [256, 128], strides = [1, 1]} : vector<1024x768xbf16> to vector<256x128xbf16>
    %slice3A_346 = vector.extract_strided_slice %convert_element_type3A_136 {offsets = [768, 512], sizes = [256, 128], strides = [1, 1]} : vector<1024x768xbf16> to vector<256x128xbf16>
    %dot_general3A_347 = arith.constant dense<0.000000e+00> : vector<256x256xf32>
    %dot_general3A_348 = tpu.matmul %slice3A_344, %slice3A_345, %dot_general3A_347 {dimension_numbers = #tpu.dot_dimension_numbers<[1], [1], [0], [0], [0, 0, 1, 0], [], []>, transpose_lhs_hint = false} : vector<256x128xbf16>, vector<256x128xbf16>, vector<256x256xf32> -> vector<256x256xf32>
    %mul3A_349 = arith.constant 0.144337565 : f32
    %mul3A_350 = vector.broadcast %mul3A_349 : f32 to vector<256x256xf32>
    %mul3A_351 = arith.mulf %dot_general3A_348, %mul3A_350 : vector<256x256xf32>
    %jit3A_352 = arith.constant -1.000000e+30 : f32
    %broadcast_in_dim3A_353 = vector.broadcast %jit3A_352 : f32 to vector<256x256xf32>
    %select_n3A_354 = arith.select %eq3A, %mul3A_351, %broadcast_in_dim3A_353 : vector<256x256xi1>, vector<256x256xf32>
    %reduce_max3A_355 = arith.constant dense<0xFF800000> : vector<256xf32>
    %reduce_max3A_356 = vector.multi_reduction <maximumf>, %select_n3A_354, %reduce_max3A_355 [1] : vector<256x256xf32> to vector<256xf32>
    %broadcast_in_dim3A_357 = vector.shape_cast %reduce_max3A_356 : vector<256xf32> to vector<256x1xf32>
    %sub3A_358 = vector.broadcast %broadcast_in_dim3A_357 : vector<256x1xf32> to vector<256x256xf32>
    %sub3A_359 = arith.subf %select_n3A_354, %sub3A_358 : vector<256x256xf32>
    %exp3A_360 = math.exp %sub3A_359 : vector<256x256xf32>
    %reduce_sum3A_361 = arith.constant dense<0.000000e+00> : vector<256xf32>
    %reduce_sum3A_362 = vector.multi_reduction <add>, %exp3A_360, %reduce_sum3A_361 [1] : vector<256x256xf32> to vector<256xf32>
    %broadcast_in_dim3A_363 = vector.shape_cast %reduce_sum3A_362 : vector<256xf32> to vector<256x1xf32>
    %div3A_364 = vector.broadcast %broadcast_in_dim3A_363 : vector<256x1xf32> to vector<256x256xf32>
    %div3A_365 = arith.divf %exp3A_360, %div3A_364 : vector<256x256xf32>
    %convert_element_type3A_366 = arith.truncf %div3A_365 : vector<256x256xf32> to vector<256x256xbf16>
    %dot_general3A_367 = arith.constant dense<0.000000e+00> : vector<256x128xf32>
    %dot_general3A_368 = tpu.matmul %convert_element_type3A_366, %slice3A_346, %dot_general3A_367 {dimension_numbers = #tpu.dot_dimension_numbers<[1], [0], [0], [1], [0, 0, 1, 1], [], []>, transpose_lhs_hint = false} : vector<256x256xbf16>, vector<256x128xbf16>, vector<256x128xf32> -> vector<256x128xf32>
    %slice3A_369 = vector.extract_strided_slice %convert_element_type3A_136 {offsets = [768, 128], sizes = [256, 128], strides = [1, 1]} : vector<1024x768xbf16> to vector<256x128xbf16>
    %slice3A_370 = vector.extract_strided_slice %convert_element_type3A_136 {offsets = [768, 384], sizes = [256, 128], strides = [1, 1]} : vector<1024x768xbf16> to vector<256x128xbf16>
    %slice3A_371 = vector.extract_strided_slice %convert_element_type3A_136 {offsets = [768, 640], sizes = [256, 128], strides = [1, 1]} : vector<1024x768xbf16> to vector<256x128xbf16>
    %dot_general3A_372 = arith.constant dense<0.000000e+00> : vector<256x256xf32>
    %dot_general3A_373 = tpu.matmul %slice3A_369, %slice3A_370, %dot_general3A_372 {dimension_numbers = #tpu.dot_dimension_numbers<[1], [1], [0], [0], [0, 0, 1, 0], [], []>, transpose_lhs_hint = false} : vector<256x128xbf16>, vector<256x128xbf16>, vector<256x256xf32> -> vector<256x256xf32>
    %mul3A_374 = arith.constant 0.144337565 : f32
    %mul3A_375 = vector.broadcast %mul3A_374 : f32 to vector<256x256xf32>
    %mul3A_376 = arith.mulf %dot_general3A_373, %mul3A_375 : vector<256x256xf32>
    %jit3A_377 = arith.constant -1.000000e+30 : f32
    %broadcast_in_dim3A_378 = vector.broadcast %jit3A_377 : f32 to vector<256x256xf32>
    %select_n3A_379 = arith.select %eq3A, %mul3A_376, %broadcast_in_dim3A_378 : vector<256x256xi1>, vector<256x256xf32>
    %reduce_max3A_380 = arith.constant dense<0xFF800000> : vector<256xf32>
    %reduce_max3A_381 = vector.multi_reduction <maximumf>, %select_n3A_379, %reduce_max3A_380 [1] : vector<256x256xf32> to vector<256xf32>
    %broadcast_in_dim3A_382 = vector.shape_cast %reduce_max3A_381 : vector<256xf32> to vector<256x1xf32>
    %sub3A_383 = vector.broadcast %broadcast_in_dim3A_382 : vector<256x1xf32> to vector<256x256xf32>
    %sub3A_384 = arith.subf %select_n3A_379, %sub3A_383 : vector<256x256xf32>
    %exp3A_385 = math.exp %sub3A_384 : vector<256x256xf32>
    %reduce_sum3A_386 = arith.constant dense<0.000000e+00> : vector<256xf32>
    %reduce_sum3A_387 = vector.multi_reduction <add>, %exp3A_385, %reduce_sum3A_386 [1] : vector<256x256xf32> to vector<256xf32>
    %broadcast_in_dim3A_388 = vector.shape_cast %reduce_sum3A_387 : vector<256xf32> to vector<256x1xf32>
    %div3A_389 = vector.broadcast %broadcast_in_dim3A_388 : vector<256x1xf32> to vector<256x256xf32>
    %div3A_390 = arith.divf %exp3A_385, %div3A_389 : vector<256x256xf32>
    %convert_element_type3A_391 = arith.truncf %div3A_390 : vector<256x256xf32> to vector<256x256xbf16>
    %dot_general3A_392 = arith.constant dense<0.000000e+00> : vector<256x128xf32>
    %dot_general3A_393 = tpu.matmul %convert_element_type3A_391, %slice3A_371, %dot_general3A_392 {dimension_numbers = #tpu.dot_dimension_numbers<[1], [0], [0], [1], [0, 0, 1, 1], [], []>, transpose_lhs_hint = false} : vector<256x256xbf16>, vector<256x128xbf16>, vector<256x128xf32> -> vector<256x128xf32>
    %concatenate3A_394 = tpu.concatenate %dot_general3A_368, %dot_general3A_393 in 1 : vector<256x128xf32>, vector<256x128xf32> -> vector<256x256xf32>
    %concatenate3A_395 = tpu.concatenate %concatenate3A_241, %concatenate3A_292, %concatenate3A_343, %concatenate3A_394 in 0 : vector<256x256xf32>, vector<256x256xf32>, vector<256x256xf32>, vector<256x256xf32> -> vector<1024x256xf32>
    %add3A_396 = arith.addf %mul3A_124, %concatenate3A_395 : vector<1024x256xf32>
    %convert_element_type3A_397 = arith.truncf %add3A_396 : vector<1024x256xf32> to vector<1024x256xbf16>
    %get3A_398 = arith.constant 0 : index
    %get3A_399 = arith.constant 0 : index
    %get3A_400 = vector.load %arg24[%get3A_398, %get3A_399] : memref<256x96xbf16, #tpu.memory_space<vmem>>, vector<256x96xbf16>
    %dot_general3A_401 = arith.constant dense<0.000000e+00> : vector<1024x96xf32>
    %dot_general3A_402 = tpu.matmul %convert_element_type3A_397, %get3A_400, %dot_general3A_401 {dimension_numbers = #tpu.dot_dimension_numbers<[1], [0], [0], [1], [0, 0, 1, 1], [], []>, transpose_lhs_hint = false} : vector<1024x256xbf16>, vector<256x96xbf16>, vector<1024x96xf32> -> vector<1024x96xf32>
    %get3A_403 = arith.constant 0 : index
    %get3A_404 = arith.constant 0 : index
    %get3A_405 = vector.load %arg25[%get3A_403, %get3A_404] : memref<1x96xf32, #tpu.memory_space<vmem>>, vector<1x96xf32>
    %add3A_406 = vector.broadcast %get3A_405 : vector<1x96xf32> to vector<1024x96xf32>
    %add3A_407 = arith.addf %dot_general3A_402, %add3A_406 : vector<1024x96xf32>
    %mul3A_408 = arith.constant 5.000000e-01 : f32
    %mul3A_409 = vector.broadcast %mul3A_408 : f32 to vector<1024x96xf32>
    %mul3A_410 = arith.mulf %mul3A_409, %add3A_407 : vector<1024x96xf32>
    %mul3A_411 = arith.constant 0.707106769 : f32
    %mul3A_412 = vector.broadcast %mul3A_411 : f32 to vector<1024x96xf32>
    %mul3A_413 = arith.mulf %add3A_407, %mul3A_412 : vector<1024x96xf32>
    %erf3A_414 = math.erf %mul3A_413 : vector<1024x96xf32>
    %add3A_415 = arith.constant 1.000000e+00 : f32
    %add3A_416 = vector.broadcast %add3A_415 : f32 to vector<1024x96xf32>
    %add3A_417 = arith.addf %add3A_416, %erf3A_414 : vector<1024x96xf32>
    %mul3A_418 = arith.mulf %mul3A_410, %add3A_417 : vector<1024x96xf32>
    %add3A_419 = arith.addf %concatenate3A, %add3A_105 : vector<1024x96xf32>
    %add3A_420 = arith.addf %add3A_419, %mul3A_418 : vector<1024x96xf32>
    %swap3A = arith.constant 0 : index
    %swap3A_421 = arith.constant 0 : index
    %swap3A_422 = vector.load %arg26[%swap3A, %swap3A_421] : memref<1024x96xf32, #tpu.memory_space<vmem>>, vector<1024x96xf32>
    tpu.vector_store %arg26[%swap3A, %swap3A_421], %add3A_420 {strides = array<i32>} : memref<1024x96xf32, #tpu.memory_space<vmem>>, vector<1024x96xf32>,
    return
  }
  func.func @transform_0(%arg0: i32, %arg1: memref<1392xi32, #tpu.memory_space<smem>>) -> (i32, i32, i32) {
    %mul3A = arith.constant 16 : i32
    %mul3A_0 = arith.muli %arg0, %mul3A : i32
    %add3A = arith.constant 0 : i32
    %add3A_1 = arith.addi %mul3A_0, %add3A : i32
    %get3A = arith.index_cast %add3A_1 : i32 to index
    %get3A_2 = memref.load %arg1[%get3A] : memref<1392xi32, #tpu.memory_space<smem>>
    %c0_i32 = arith.constant 0 : i32
    %c0_i32_3 = arith.constant 0 : i32
    %c0_i32_4 = arith.constant 0 : i32
    return %get3A_2, %c0_i32, %c0_i32_3 : i32, i32, i32
  }
  func.func @transform_1(%arg0: i32, %arg1: memref<1392xi32, #tpu.memory_space<smem>>) -> (i32, i32, i32) {
    %mul3A = arith.constant 16 : i32
    %mul3A_0 = arith.muli %arg0, %mul3A : i32
    %add3A = arith.constant 1 : i32
    %add3A_1 = arith.addi %mul3A_0, %add3A : i32
    %get3A = arith.index_cast %add3A_1 : i32 to index
    %get3A_2 = memref.load %arg1[%get3A] : memref<1392xi32, #tpu.memory_space<smem>>
    %c0_i32 = arith.constant 0 : i32
    %c0_i32_3 = arith.constant 0 : i32
    %c0_i32_4 = arith.constant 0 : i32
    return %get3A_2, %c0_i32, %c0_i32_3 : i32, i32, i32
  }
  func.func @transform_2(%arg0: i32, %arg1: memref<1392xi32, #tpu.memory_space<smem>>) -> (i32, i32, i32) {
    %mul3A = arith.constant 16 : i32
    %mul3A_0 = arith.muli %arg0, %mul3A : i32
    %add3A = arith.constant 2 : i32
    %add3A_1 = arith.addi %mul3A_0, %add3A : i32
    %get3A = arith.index_cast %add3A_1 : i32 to index
    %get3A_2 = memref.load %arg1[%get3A] : memref<1392xi32, #tpu.memory_space<smem>>
    %c0_i32 = arith.constant 0 : i32
    %c0_i32_3 = arith.constant 0 : i32
    %c0_i32_4 = arith.constant 0 : i32
    return %get3A_2, %c0_i32, %c0_i32_3 : i32, i32, i32
  }
  func.func @transform_3(%arg0: i32, %arg1: memref<1392xi32, #tpu.memory_space<smem>>) -> (i32, i32, i32) {
    %mul3A = arith.constant 16 : i32
    %mul3A_0 = arith.muli %arg0, %mul3A : i32
    %add3A = arith.constant 3 : i32
    %add3A_1 = arith.addi %mul3A_0, %add3A : i32
    %get3A = arith.index_cast %add3A_1 : i32 to index
    %get3A_2 = memref.load %arg1[%get3A] : memref<1392xi32, #tpu.memory_space<smem>>
    %c0_i32 = arith.constant 0 : i32
    %c0_i32_3 = arith.constant 0 : i32
    %c0_i32_4 = arith.constant 0 : i32
    return %get3A_2, %c0_i32, %c0_i32_3 : i32, i32, i32
  }
  func.func @transform_4(%arg0: i32, %arg1: memref<1392xi32, #tpu.memory_space<smem>>) -> (i32, i32, i32) {
    %mul3A = arith.constant 16 : i32
    %mul3A_0 = arith.muli %arg0, %mul3A : i32
    %add3A = arith.constant 4 : i32
    %add3A_1 = arith.addi %mul3A_0, %add3A : i32
    %get3A = arith.index_cast %add3A_1 : i32 to index
    %get3A_2 = memref.load %arg1[%get3A] : memref<1392xi32, #tpu.memory_space<smem>>
    %c0_i32 = arith.constant 0 : i32
    %c0_i32_3 = arith.constant 0 : i32
    %c0_i32_4 = arith.constant 0 : i32
    return %get3A_2, %c0_i32, %c0_i32_3 : i32, i32, i32
  }
  func.func @transform_5(%arg0: i32, %arg1: memref<1392xi32, #tpu.memory_space<smem>>) -> (i32, i32, i32) {
    %mul3A = arith.constant 16 : i32
    %mul3A_0 = arith.muli %arg0, %mul3A : i32
    %add3A = arith.constant 5 : i32
    %add3A_1 = arith.addi %mul3A_0, %add3A : i32
    %get3A = arith.index_cast %add3A_1 : i32 to index
    %get3A_2 = memref.load %arg1[%get3A] : memref<1392xi32, #tpu.memory_space<smem>>
    %c0_i32 = arith.constant 0 : i32
    %c0_i32_3 = arith.constant 0 : i32
    %c0_i32_4 = arith.constant 0 : i32
    return %get3A_2, %c0_i32, %c0_i32_3 : i32, i32, i32
  }
  func.func @transform_6(%arg0: i32, %arg1: memref<1392xi32, #tpu.memory_space<smem>>) -> (i32, i32, i32) {
    %mul3A = arith.constant 16 : i32
    %mul3A_0 = arith.muli %arg0, %mul3A : i32
    %add3A = arith.constant 6 : i32
    %add3A_1 = arith.addi %mul3A_0, %add3A : i32
    %get3A = arith.index_cast %add3A_1 : i32 to index
    %get3A_2 = memref.load %arg1[%get3A] : memref<1392xi32, #tpu.memory_space<smem>>
    %c0_i32 = arith.constant 0 : i32
    %c0_i32_3 = arith.constant 0 : i32
    %c0_i32_4 = arith.constant 0 : i32
    return %get3A_2, %c0_i32, %c0_i32_3 : i32, i32, i32
  }
  func.func @transform_7(%arg0: i32, %arg1: memref<1392xi32, #tpu.memory_space<smem>>) -> (i32, i32, i32) {
    %mul3A = arith.constant 16 : i32
    %mul3A_0 = arith.muli %arg0, %mul3A : i32
    %add3A = arith.constant 7 : i32
    %add3A_1 = arith.addi %mul3A_0, %add3A : i32
    %get3A = arith.index_cast %add3A_1 : i32 to index
    %get3A_2 = memref.load %arg1[%get3A] : memref<1392xi32, #tpu.memory_space<smem>>
    %c0_i32 = arith.constant 0 : i32
    %c0_i32_3 = arith.constant 0 : i32
    %c0_i32_4 = arith.constant 0 : i32
    return %get3A_2, %c0_i32, %c0_i32_3 : i32, i32, i32
  }
  func.func @transform_8(%arg0: i32, %arg1: memref<1392xi32, #tpu.memory_space<smem>>) -> (i32, i32, i32) {
    %mul3A = arith.constant 16 : i32
    %mul3A_0 = arith.muli %arg0, %mul3A : i32
    %add3A = arith.constant 8 : i32
    %add3A_1 = arith.addi %mul3A_0, %add3A : i32
    %get3A = arith.index_cast %add3A_1 : i32 to index
    %get3A_2 = memref.load %arg1[%get3A] : memref<1392xi32, #tpu.memory_space<smem>>
    %c0_i32 = arith.constant 0 : i32
    %c0_i32_3 = arith.constant 0 : i32
    %c0_i32_4 = arith.constant 0 : i32
    return %get3A_2, %c0_i32, %c0_i32_3 : i32, i32, i32
  }
  func.func @transform_9(%arg0: i32, %arg1: memref<1392xi32, #tpu.memory_space<smem>>) -> (i32, i32, i32) {
    %mul3A = arith.constant 16 : i32
    %mul3A_0 = arith.muli %arg0, %mul3A : i32
    %add3A = arith.constant 9 : i32
    %add3A_1 = arith.addi %mul3A_0, %add3A : i32
    %get3A = arith.index_cast %add3A_1 : i32 to index
    %get3A_2 = memref.load %arg1[%get3A] : memref<1392xi32, #tpu.memory_space<smem>>
    %c0_i32 = arith.constant 0 : i32
    %c0_i32_3 = arith.constant 0 : i32
    %c0_i32_4 = arith.constant 0 : i32
    return %get3A_2, %c0_i32, %c0_i32_3 : i32, i32, i32
  }
  func.func @transform_10(%arg0: i32, %arg1: memref<1392xi32, #tpu.memory_space<smem>>) -> (i32, i32, i32) {
    %mul3A = arith.constant 16 : i32
    %mul3A_0 = arith.muli %arg0, %mul3A : i32
    %add3A = arith.constant 10 : i32
    %add3A_1 = arith.addi %mul3A_0, %add3A : i32
    %get3A = arith.index_cast %add3A_1 : i32 to index
    %get3A_2 = memref.load %arg1[%get3A] : memref<1392xi32, #tpu.memory_space<smem>>
    %c0_i32 = arith.constant 0 : i32
    %c0_i32_3 = arith.constant 0 : i32
    %c0_i32_4 = arith.constant 0 : i32
    return %get3A_2, %c0_i32, %c0_i32_3 : i32, i32, i32
  }
  func.func @transform_11(%arg0: i32, %arg1: memref<1392xi32, #tpu.memory_space<smem>>) -> (i32, i32, i32) {
    %mul3A = arith.constant 16 : i32
    %mul3A_0 = arith.muli %arg0, %mul3A : i32
    %add3A = arith.constant 11 : i32
    %add3A_1 = arith.addi %mul3A_0, %add3A : i32
    %get3A = arith.index_cast %add3A_1 : i32 to index
    %get3A_2 = memref.load %arg1[%get3A] : memref<1392xi32, #tpu.memory_space<smem>>
    %c0_i32 = arith.constant 0 : i32
    %c0_i32_3 = arith.constant 0 : i32
    %c0_i32_4 = arith.constant 0 : i32
    return %get3A_2, %c0_i32, %c0_i32_3 : i32, i32, i32
  }
  func.func @transform_12(%arg0: i32, %arg1: memref<1392xi32, #tpu.memory_space<smem>>) -> (i32, i32, i32) {
    %mul3A = arith.constant 16 : i32
    %mul3A_0 = arith.muli %arg0, %mul3A : i32
    %add3A = arith.constant 12 : i32
    %add3A_1 = arith.addi %mul3A_0, %add3A : i32
    %get3A = arith.index_cast %add3A_1 : i32 to index
    %get3A_2 = memref.load %arg1[%get3A] : memref<1392xi32, #tpu.memory_space<smem>>
    %c0_i32 = arith.constant 0 : i32
    %c0_i32_3 = arith.constant 0 : i32
    %c0_i32_4 = arith.constant 0 : i32
    return %get3A_2, %c0_i32, %c0_i32_3 : i32, i32, i32
  }
  func.func @transform_13(%arg0: i32, %arg1: memref<1392xi32, #tpu.memory_space<smem>>) -> (i32, i32, i32) {
    %mul3A = arith.constant 16 : i32
    %mul3A_0 = arith.muli %arg0, %mul3A : i32
    %add3A = arith.constant 13 : i32
    %add3A_1 = arith.addi %mul3A_0, %add3A : i32
    %get3A = arith.index_cast %add3A_1 : i32 to index
    %get3A_2 = memref.load %arg1[%get3A] : memref<1392xi32, #tpu.memory_space<smem>>
    %c0_i32 = arith.constant 0 : i32
    %c0_i32_3 = arith.constant 0 : i32
    %c0_i32_4 = arith.constant 0 : i32
    return %get3A_2, %c0_i32, %c0_i32_3 : i32, i32, i32
  }
  func.func @transform_14(%arg0: i32, %arg1: memref<1392xi32, #tpu.memory_space<smem>>) -> (i32, i32, i32) {
    %mul3A = arith.constant 16 : i32
    %mul3A_0 = arith.muli %arg0, %mul3A : i32
    %add3A = arith.constant 14 : i32
    %add3A_1 = arith.addi %mul3A_0, %add3A : i32
    %get3A = arith.index_cast %add3A_1 : i32 to index
    %get3A_2 = memref.load %arg1[%get3A] : memref<1392xi32, #tpu.memory_space<smem>>
    %c0_i32 = arith.constant 0 : i32
    %c0_i32_3 = arith.constant 0 : i32
    %c0_i32_4 = arith.constant 0 : i32
    return %get3A_2, %c0_i32, %c0_i32_3 : i32, i32, i32
  }
  func.func @transform_15(%arg0: i32, %arg1: memref<1392xi32, #tpu.memory_space<smem>>) -> (i32, i32, i32) {
    %mul3A = arith.constant 16 : i32
    %mul3A_0 = arith.muli %arg0, %mul3A : i32
    %add3A = arith.constant 15 : i32
    %add3A_1 = arith.addi %mul3A_0, %add3A : i32
    %get3A = arith.index_cast %add3A_1 : i32 to index
    %get3A_2 = memref.load %arg1[%get3A] : memref<1392xi32, #tpu.memory_space<smem>>
    %c0_i32 = arith.constant 0 : i32
    %c0_i32_3 = arith.constant 0 : i32
    %c0_i32_4 = arith.constant 0 : i32
    return %get3A_2, %c0_i32, %c0_i32_3 : i32, i32, i32
  }
  func.func @transform_16(%arg0: i32, %arg1: memref<1392xi32, #tpu.memory_space<smem>>) -> (i32, i32) {
    %c0_i32 = arith.constant 0 : i32
    %c0_i32_0 = arith.constant 0 : i32
    %c0_i32_1 = arith.constant 0 : i32
    return %c0_i32, %c0_i32_0 : i32, i32
  }
  func.func @transform_17(%arg0: i32, %arg1: memref<1392xi32, #tpu.memory_space<smem>>) -> (i32, i32) {
    %c0_i32 = arith.constant 0 : i32
    %c0_i32_0 = arith.constant 0 : i32
    %c0_i32_1 = arith.constant 0 : i32
    return %c0_i32, %c0_i32_0 : i32, i32
  }
  func.func @transform_18(%arg0: i32, %arg1: memref<1392xi32, #tpu.memory_space<smem>>) -> (i32, i32) {
    %c0_i32 = arith.constant 0 : i32
    %c0_i32_0 = arith.constant 0 : i32
    %c0_i32_1 = arith.constant 0 : i32
    return %c0_i32, %c0_i32_0 : i32, i32
  }
  func.func @transform_19(%arg0: i32, %arg1: memref<1392xi32, #tpu.memory_space<smem>>) -> (i32, i32) {
    %c0_i32 = arith.constant 0 : i32
    %c0_i32_0 = arith.constant 0 : i32
    %c0_i32_1 = arith.constant 0 : i32
    return %c0_i32, %c0_i32_0 : i32, i32
  }
  func.func @transform_20(%arg0: i32, %arg1: memref<1392xi32, #tpu.memory_space<smem>>) -> (i32, i32) {
    %c0_i32 = arith.constant 0 : i32
    %c0_i32_0 = arith.constant 0 : i32
    %c0_i32_1 = arith.constant 0 : i32
    return %c0_i32, %c0_i32_0 : i32, i32
  }
  func.func @transform_21(%arg0: i32, %arg1: memref<1392xi32, #tpu.memory_space<smem>>) -> (i32, i32) {
    %c0_i32 = arith.constant 0 : i32
    %c0_i32_0 = arith.constant 0 : i32
    %c0_i32_1 = arith.constant 0 : i32
    return %c0_i32, %c0_i32_0 : i32, i32
  }
  func.func @transform_22(%arg0: i32, %arg1: memref<1392xi32, #tpu.memory_space<smem>>) -> (i32, i32) {
    %c0_i32 = arith.constant 0 : i32
    %c0_i32_0 = arith.constant 0 : i32
    %c0_i32_1 = arith.constant 0 : i32
    return %c0_i32, %c0_i32_0 : i32, i32
  }
  func.func @transform_23(%arg0: i32, %arg1: memref<1392xi32, #tpu.memory_space<smem>>) -> (i32, i32) {
    %c0_i32 = arith.constant 0 : i32
    %c0_i32_0 = arith.constant 0 : i32
    %c0_i32_1 = arith.constant 0 : i32
    return %c0_i32, %c0_i32_0 : i32, i32
  }
  func.func @transform_24(%arg0: i32, %arg1: memref<1392xi32, #tpu.memory_space<smem>>) -> (i32, i32) {
    %c0_i32 = arith.constant 0 : i32
    %c0_i32_0 = arith.constant 0 : i32
    return %arg0, %c0_i32 : i32, i32
  }
}

module attributes {stable_mosaic.version = 14 : i64} {
  func.func @_scatter_body(%arg0: i32, %arg1: memref<1392xi32, #tpu.memory_space<smem>>, %arg2: memref<64x96xf32, #tpu.memory_space<vmem>>, %arg3: memref<4608x64x96xf32, #tpu.memory_space<any>>, %arg4: memref<1x64x96xf32, #tpu.memory_space<vmem>>) attributes {dimension_semantics = [#tpu.dimension_semantics<arbitrary>], iteration_bounds = array<i64: 1382>, scalar_prefetch = 1 : i64, scratch_operands = 0 : i64, tpu.core_type = #tpu.core_type<tc>, window_params = [{transform_indices = @transform_0, window_bounds = array<i64: 64, 96>}, {}, {transform_indices = @transform_2, window_bounds = array<i64: 1, 64, 96>}]} {
    %get3A = arith.constant 0 : index
    %get3A_0 = arith.constant 0 : index
    %get3A_1 = vector.load %arg2[%get3A, %get3A_0] : memref<64x96xf32, #tpu.memory_space<vmem>>, vector<64x96xf32>
    %reshape3A = vector.shape_cast %get3A_1 : vector<64x96xf32> to vector<1x64x96xf32>
    %swap3A = arith.constant 0 : index
    %swap3A_2 = arith.constant 0 : index
    %swap3A_3 = arith.constant 0 : index
    %swap3A_4 = vector.load %arg4[%swap3A, %swap3A_2, %swap3A_3] : memref<1x64x96xf32, #tpu.memory_space<vmem>>, vector<1x64x96xf32>
    tpu.vector_store %arg4[%swap3A, %swap3A_2, %swap3A_3], %reshape3A {strides = array<i32>} : memref<1x64x96xf32, #tpu.memory_space<vmem>>, vector<1x64x96xf32>,
    return
  }
  func.func @transform_0(%arg0: i32, %arg1: memref<1392xi32, #tpu.memory_space<smem>>) -> (i32, i32) {
    %c0_i32 = arith.constant 0 : i32
    %c0_i32_0 = arith.constant 0 : i32
    return %arg0, %c0_i32 : i32, i32
  }
  func.func @transform_2(%arg0: i32, %arg1: memref<1392xi32, #tpu.memory_space<smem>>) -> (i32, i32, i32) {
    %get3A = arith.index_cast %arg0 : i32 to index
    %get3A_0 = memref.load %arg1[%get3A] : memref<1392xi32, #tpu.memory_space<smem>>
    %c0_i32 = arith.constant 0 : i32
    %c0_i32_1 = arith.constant 0 : i32
    %c0_i32_2 = arith.constant 0 : i32
    return %get3A_0, %c0_i32, %c0_i32_1 : i32, i32, i32
  }
}

module attributes {stable_mosaic.version = 14 : i64} {
  func.func @_compute_body(%arg0: i32, %arg1: memref<1424xi32, #tpu.memory_space<smem>>, %arg2: memref<1x64x96xf32, #tpu.memory_space<vmem>>, %arg3: memref<1x64x96xf32, #tpu.memory_space<vmem>>, %arg4: memref<1x64x96xf32, #tpu.memory_space<vmem>>, %arg5: memref<1x64x96xf32, #tpu.memory_space<vmem>>, %arg6: memref<1x64x96xf32, #tpu.memory_space<vmem>>, %arg7: memref<1x64x96xf32, #tpu.memory_space<vmem>>, %arg8: memref<1x64x96xf32, #tpu.memory_space<vmem>>, %arg9: memref<1x64x96xf32, #tpu.memory_space<vmem>>, %arg10: memref<1x64x96xf32, #tpu.memory_space<vmem>>, %arg11: memref<1x64x96xf32, #tpu.memory_space<vmem>>, %arg12: memref<1x64x96xf32, #tpu.memory_space<vmem>>, %arg13: memref<1x64x96xf32, #tpu.memory_space<vmem>>, %arg14: memref<1x64x96xf32, #tpu.memory_space<vmem>>, %arg15: memref<1x64x96xf32, #tpu.memory_space<vmem>>, %arg16: memref<1x64x96xf32, #tpu.memory_space<vmem>>, %arg17: memref<1x64x96xf32, #tpu.memory_space<vmem>>, %arg18: memref<1x96xf32, #tpu.memory_space<vmem>>, %arg19: memref<1x96xf32, #tpu.memory_space<vmem>>, %arg20: memref<96x256xbf16, #tpu.memory_space<vmem>>, %arg21: memref<1x256xf32, #tpu.memory_space<vmem>>, %arg22: memref<256x768xbf16, #tpu.memory_space<vmem>>, %arg23: memref<1x768xf32, #tpu.memory_space<vmem>>, %arg24: memref<256x96xbf16, #tpu.memory_space<vmem>>, %arg25: memref<1x96xf32, #tpu.memory_space<vmem>>, %arg26: memref<1024x96xf32, #tpu.memory_space<vmem>>) attributes {dimension_semantics = [#tpu.dimension_semantics<arbitrary>], iteration_bounds = array<i64: 89>, scalar_prefetch = 1 : i64, scratch_operands = 0 : i64, tpu.core_type = #tpu.core_type<tc>, window_params = [{transform_indices = @transform_0, window_bounds = array<i64: 1, 64, 96>}, {transform_indices = @transform_1, window_bounds = array<i64: 1, 64, 96>}, {transform_indices = @transform_2, window_bounds = array<i64: 1, 64, 96>}, {transform_indices = @transform_3, window_bounds = array<i64: 1, 64, 96>}, {transform_indices = @transform_4, window_bounds = array<i64: 1, 64, 96>}, {transform_indices = @transform_5, window_bounds = array<i64: 1, 64, 96>}, {transform_indices = @transform_6, window_bounds = array<i64: 1, 64, 96>}, {transform_indices = @transform_7, window_bounds = array<i64: 1, 64, 96>}, {transform_indices = @transform_8, window_bounds = array<i64: 1, 64, 96>}, {transform_indices = @transform_9, window_bounds = array<i64: 1, 64, 96>}, {transform_indices = @transform_10, window_bounds = array<i64: 1, 64, 96>}, {transform_indices = @transform_11, window_bounds = array<i64: 1, 64, 96>}, {transform_indices = @transform_12, window_bounds = array<i64: 1, 64, 96>}, {transform_indices = @transform_13, window_bounds = array<i64: 1, 64, 96>}, {transform_indices = @transform_14, window_bounds = array<i64: 1, 64, 96>}, {transform_indices = @transform_15, window_bounds = array<i64: 1, 64, 96>}, {pipeline_mode = #tpu.pipeline_mode<synchronous>, transform_indices = @transform_16, window_bounds = array<i64: 1, 96>}, {pipeline_mode = #tpu.pipeline_mode<synchronous>, transform_indices = @transform_17, window_bounds = array<i64: 1, 96>}, {pipeline_mode = #tpu.pipeline_mode<synchronous>, transform_indices = @transform_18, window_bounds = array<i64: 96, 256>}, {pipeline_mode = #tpu.pipeline_mode<synchronous>, transform_indices = @transform_19, window_bounds = array<i64: 1, 256>}, {pipeline_mode = #tpu.pipeline_mode<synchronous>, transform_indices = @transform_20, window_bounds = array<i64: 256, 768>}, {pipeline_mode = #tpu.pipeline_mode<synchronous>, transform_indices = @transform_21, window_bounds = array<i64: 1, 768>}, {pipeline_mode = #tpu.pipeline_mode<synchronous>, transform_indices = @transform_22, window_bounds = array<i64: 256, 96>}, {pipeline_mode = #tpu.pipeline_mode<synchronous>, transform_indices = @transform_23, window_bounds = array<i64: 1, 96>}, {transform_indices = @transform_24, window_bounds = array<i64: 1024, 96>}]} {
    %get3A = arith.constant 0 : index
    %get3A_0 = arith.constant 0 : index
    %get3A_1 = arith.constant 0 : index
    %get3A_2 = vector.load %arg2[%get3A, %get3A_0, %get3A_1] : memref<1x64x96xf32, #tpu.memory_space<vmem>>, vector<1x64x96xf32>
    %reshape3A = vector.shape_cast %get3A_2 : vector<1x64x96xf32> to vector<64x96xf32>
    %get3A_3 = arith.constant 0 : index
    %get3A_4 = arith.constant 0 : index
    %get3A_5 = arith.constant 0 : index
    %get3A_6 = vector.load %arg3[%get3A_3, %get3A_4, %get3A_5] : memref<1x64x96xf32, #tpu.memory_space<vmem>>, vector<1x64x96xf32>
    %reshape3A_7 = vector.shape_cast %get3A_6 : vector<1x64x96xf32> to vector<64x96xf32>
    %get3A_8 = arith.constant 0 : index
    %get3A_9 = arith.constant 0 : index
    %get3A_10 = arith.constant 0 : index
    %get3A_11 = vector.load %arg4[%get3A_8, %get3A_9, %get3A_10] : memref<1x64x96xf32, #tpu.memory_space<vmem>>, vector<1x64x96xf32>
    %reshape3A_12 = vector.shape_cast %get3A_11 : vector<1x64x96xf32> to vector<64x96xf32>
    %get3A_13 = arith.constant 0 : index
    %get3A_14 = arith.constant 0 : index
    %get3A_15 = arith.constant 0 : index
    %get3A_16 = vector.load %arg5[%get3A_13, %get3A_14, %get3A_15] : memref<1x64x96xf32, #tpu.memory_space<vmem>>, vector<1x64x96xf32>
    %reshape3A_17 = vector.shape_cast %get3A_16 : vector<1x64x96xf32> to vector<64x96xf32>
    %get3A_18 = arith.constant 0 : index
    %get3A_19 = arith.constant 0 : index
    %get3A_20 = arith.constant 0 : index
    %get3A_21 = vector.load %arg6[%get3A_18, %get3A_19, %get3A_20] : memref<1x64x96xf32, #tpu.memory_space<vmem>>, vector<1x64x96xf32>
    %reshape3A_22 = vector.shape_cast %get3A_21 : vector<1x64x96xf32> to vector<64x96xf32>
    %get3A_23 = arith.constant 0 : index
    %get3A_24 = arith.constant 0 : index
    %get3A_25 = arith.constant 0 : index
    %get3A_26 = vector.load %arg7[%get3A_23, %get3A_24, %get3A_25] : memref<1x64x96xf32, #tpu.memory_space<vmem>>, vector<1x64x96xf32>
    %reshape3A_27 = vector.shape_cast %get3A_26 : vector<1x64x96xf32> to vector<64x96xf32>
    %get3A_28 = arith.constant 0 : index
    %get3A_29 = arith.constant 0 : index
    %get3A_30 = arith.constant 0 : index
    %get3A_31 = vector.load %arg8[%get3A_28, %get3A_29, %get3A_30] : memref<1x64x96xf32, #tpu.memory_space<vmem>>, vector<1x64x96xf32>
    %reshape3A_32 = vector.shape_cast %get3A_31 : vector<1x64x96xf32> to vector<64x96xf32>
    %get3A_33 = arith.constant 0 : index
    %get3A_34 = arith.constant 0 : index
    %get3A_35 = arith.constant 0 : index
    %get3A_36 = vector.load %arg9[%get3A_33, %get3A_34, %get3A_35] : memref<1x64x96xf32, #tpu.memory_space<vmem>>, vector<1x64x96xf32>
    %reshape3A_37 = vector.shape_cast %get3A_36 : vector<1x64x96xf32> to vector<64x96xf32>
    %get3A_38 = arith.constant 0 : index
    %get3A_39 = arith.constant 0 : index
    %get3A_40 = arith.constant 0 : index
    %get3A_41 = vector.load %arg10[%get3A_38, %get3A_39, %get3A_40] : memref<1x64x96xf32, #tpu.memory_space<vmem>>, vector<1x64x96xf32>
    %reshape3A_42 = vector.shape_cast %get3A_41 : vector<1x64x96xf32> to vector<64x96xf32>
    %get3A_43 = arith.constant 0 : index
    %get3A_44 = arith.constant 0 : index
    %get3A_45 = arith.constant 0 : index
    %get3A_46 = vector.load %arg11[%get3A_43, %get3A_44, %get3A_45] : memref<1x64x96xf32, #tpu.memory_space<vmem>>, vector<1x64x96xf32>
    %reshape3A_47 = vector.shape_cast %get3A_46 : vector<1x64x96xf32> to vector<64x96xf32>
    %get3A_48 = arith.constant 0 : index
    %get3A_49 = arith.constant 0 : index
    %get3A_50 = arith.constant 0 : index
    %get3A_51 = vector.load %arg12[%get3A_48, %get3A_49, %get3A_50] : memref<1x64x96xf32, #tpu.memory_space<vmem>>, vector<1x64x96xf32>
    %reshape3A_52 = vector.shape_cast %get3A_51 : vector<1x64x96xf32> to vector<64x96xf32>
    %get3A_53 = arith.constant 0 : index
    %get3A_54 = arith.constant 0 : index
    %get3A_55 = arith.constant 0 : index
    %get3A_56 = vector.load %arg13[%get3A_53, %get3A_54, %get3A_55] : memref<1x64x96xf32, #tpu.memory_space<vmem>>, vector<1x64x96xf32>
    %reshape3A_57 = vector.shape_cast %get3A_56 : vector<1x64x96xf32> to vector<64x96xf32>
    %get3A_58 = arith.constant 0 : index
    %get3A_59 = arith.constant 0 : index
    %get3A_60 = arith.constant 0 : index
    %get3A_61 = vector.load %arg14[%get3A_58, %get3A_59, %get3A_60] : memref<1x64x96xf32, #tpu.memory_space<vmem>>, vector<1x64x96xf32>
    %reshape3A_62 = vector.shape_cast %get3A_61 : vector<1x64x96xf32> to vector<64x96xf32>
    %get3A_63 = arith.constant 0 : index
    %get3A_64 = arith.constant 0 : index
    %get3A_65 = arith.constant 0 : index
    %get3A_66 = vector.load %arg15[%get3A_63, %get3A_64, %get3A_65] : memref<1x64x96xf32, #tpu.memory_space<vmem>>, vector<1x64x96xf32>
    %reshape3A_67 = vector.shape_cast %get3A_66 : vector<1x64x96xf32> to vector<64x96xf32>
    %get3A_68 = arith.constant 0 : index
    %get3A_69 = arith.constant 0 : index
    %get3A_70 = arith.constant 0 : index
    %get3A_71 = vector.load %arg16[%get3A_68, %get3A_69, %get3A_70] : memref<1x64x96xf32, #tpu.memory_space<vmem>>, vector<1x64x96xf32>
    %reshape3A_72 = vector.shape_cast %get3A_71 : vector<1x64x96xf32> to vector<64x96xf32>
    %get3A_73 = arith.constant 0 : index
    %get3A_74 = arith.constant 0 : index
    %get3A_75 = arith.constant 0 : index
    %get3A_76 = vector.load %arg17[%get3A_73, %get3A_74, %get3A_75] : memref<1x64x96xf32, #tpu.memory_space<vmem>>, vector<1x64x96xf32>
    %reshape3A_77 = vector.shape_cast %get3A_76 : vector<1x64x96xf32> to vector<64x96xf32>
    %concatenate3A = tpu.concatenate %reshape3A, %reshape3A_7, %reshape3A_12, %reshape3A_17, %reshape3A_22, %reshape3A_27, %reshape3A_32, %reshape3A_37, %reshape3A_42, %reshape3A_47, %reshape3A_52, %reshape3A_57, %reshape3A_62, %reshape3A_67, %reshape3A_72, %reshape3A_77 in 0 : vector<64x96xf32>, vector<64x96xf32>, vector<64x96xf32>, vector<64x96xf32>, vector<64x96xf32>, vector<64x96xf32>, vector<64x96xf32>, vector<64x96xf32>, vector<64x96xf32>, vector<64x96xf32>, vector<64x96xf32>, vector<64x96xf32>, vector<64x96xf32>, vector<64x96xf32>, vector<64x96xf32>, vector<64x96xf32> -> vector<1024x96xf32>
    %reduce_sum3A = arith.constant dense<0.000000e+00> : vector<1024xf32>
    %reduce_sum3A_78 = vector.multi_reduction <add>, %concatenate3A, %reduce_sum3A [1] : vector<1024x96xf32> to vector<1024xf32>
    %broadcast_in_dim3A = vector.shape_cast %reduce_sum3A_78 : vector<1024xf32> to vector<1024x1xf32>
    %div3A = arith.constant 9.600000e+01 : f32
    %div3A_79 = vector.broadcast %div3A : f32 to vector<1024x1xf32>
    %div3A_80 = arith.divf %broadcast_in_dim3A, %div3A_79 : vector<1024x1xf32>
    %sub3A = vector.broadcast %div3A_80 : vector<1024x1xf32> to vector<1024x96xf32>
    %sub3A_81 = arith.subf %concatenate3A, %sub3A : vector<1024x96xf32>
    %sub3A_82 = vector.broadcast %div3A_80 : vector<1024x1xf32> to vector<1024x96xf32>
    %sub3A_83 = arith.subf %concatenate3A, %sub3A_82 : vector<1024x96xf32>
    %mul3A = arith.mulf %sub3A_81, %sub3A_83 : vector<1024x96xf32>
    %reduce_sum3A_84 = arith.constant dense<0.000000e+00> : vector<1024xf32>
    %reduce_sum3A_85 = vector.multi_reduction <add>, %mul3A, %reduce_sum3A_84 [1] : vector<1024x96xf32> to vector<1024xf32>
    %broadcast_in_dim3A_86 = vector.shape_cast %reduce_sum3A_85 : vector<1024xf32> to vector<1024x1xf32>
    %div3A_87 = arith.constant 9.600000e+01 : f32
    %div3A_88 = vector.broadcast %div3A_87 : f32 to vector<1024x1xf32>
    %div3A_89 = arith.divf %broadcast_in_dim3A_86, %div3A_88 : vector<1024x1xf32>
    %sub3A_90 = vector.broadcast %div3A_80 : vector<1024x1xf32> to vector<1024x96xf32>
    %sub3A_91 = arith.subf %concatenate3A, %sub3A_90 : vector<1024x96xf32>
    %add3A = arith.constant 9.99999974E-6 : f32
    %add3A_92 = vector.broadcast %add3A : f32 to vector<1024x1xf32>
    %add3A_93 = arith.addf %div3A_89, %add3A_92 : vector<1024x1xf32>
    %rsqrt3A = math.rsqrt %add3A_93 : vector<1024x1xf32>
    %mul3A_94 = vector.broadcast %rsqrt3A : vector<1024x1xf32> to vector<1024x96xf32>
    %mul3A_95 = arith.mulf %sub3A_91, %mul3A_94 : vector<1024x96xf32>
    %get3A_96 = arith.constant 0 : index
    %get3A_97 = arith.constant 0 : index
    %get3A_98 = vector.load %arg18[%get3A_96, %get3A_97] : memref<1x96xf32, #tpu.memory_space<vmem>>, vector<1x96xf32>
    %mul3A_99 = vector.broadcast %get3A_98 : vector<1x96xf32> to vector<1024x96xf32>
    %mul3A_100 = arith.mulf %mul3A_95, %mul3A_99 : vector<1024x96xf32>
    %get3A_101 = arith.constant 0 : index
    %get3A_102 = arith.constant 0 : index
    %get3A_103 = vector.load %arg19[%get3A_101, %get3A_102] : memref<1x96xf32, #tpu.memory_space<vmem>>, vector<1x96xf32>
    %add3A_104 = vector.broadcast %get3A_103 : vector<1x96xf32> to vector<1024x96xf32>
    %add3A_105 = arith.addf %mul3A_100, %add3A_104 : vector<1024x96xf32>
    %convert_element_type3A = arith.truncf %add3A_105 : vector<1024x96xf32> to vector<1024x96xbf16>
    %get3A_106 = arith.constant 0 : index
    %get3A_107 = arith.constant 0 : index
    %get3A_108 = vector.load %arg20[%get3A_106, %get3A_107] : memref<96x256xbf16, #tpu.memory_space<vmem>>, vector<96x256xbf16>
    %dot_general3A = arith.constant dense<0.000000e+00> : vector<1024x256xf32>
    %dot_general3A_109 = tpu.matmul %convert_element_type3A, %get3A_108, %dot_general3A {dimension_numbers = #tpu.dot_dimension_numbers<[1], [0], [0], [1], [0, 0, 1, 1], [], []>, transpose_lhs_hint = false} : vector<1024x96xbf16>, vector<96x256xbf16>, vector<1024x256xf32> -> vector<1024x256xf32>
    %get3A_110 = arith.constant 0 : index
    %get3A_111 = arith.constant 0 : index
    %get3A_112 = vector.load %arg21[%get3A_110, %get3A_111] : memref<1x256xf32, #tpu.memory_space<vmem>>, vector<1x256xf32>
    %add3A_113 = vector.broadcast %get3A_112 : vector<1x256xf32> to vector<1024x256xf32>
    %add3A_114 = arith.addf %dot_general3A_109, %add3A_113 : vector<1024x256xf32>
    %mul3A_115 = arith.constant 5.000000e-01 : f32
    %mul3A_116 = vector.broadcast %mul3A_115 : f32 to vector<1024x256xf32>
    %mul3A_117 = arith.mulf %mul3A_116, %add3A_114 : vector<1024x256xf32>
    %mul3A_118 = arith.constant 0.707106769 : f32
    %mul3A_119 = vector.broadcast %mul3A_118 : f32 to vector<1024x256xf32>
    %mul3A_120 = arith.mulf %add3A_114, %mul3A_119 : vector<1024x256xf32>
    %erf3A = math.erf %mul3A_120 : vector<1024x256xf32>
    %add3A_121 = arith.constant 1.000000e+00 : f32
    %add3A_122 = vector.broadcast %add3A_121 : f32 to vector<1024x256xf32>
    %add3A_123 = arith.addf %add3A_122, %erf3A : vector<1024x256xf32>
    %mul3A_124 = arith.mulf %mul3A_117, %add3A_123 : vector<1024x256xf32>
    %convert_element_type3A_125 = arith.truncf %mul3A_124 : vector<1024x256xf32> to vector<1024x256xbf16>
    %get3A_126 = arith.constant 0 : index
    %get3A_127 = arith.constant 0 : index
    %get3A_128 = vector.load %arg22[%get3A_126, %get3A_127] : memref<256x768xbf16, #tpu.memory_space<vmem>>, vector<256x768xbf16>
    %dot_general3A_129 = arith.constant dense<0.000000e+00> : vector<1024x768xf32>
    %dot_general3A_130 = tpu.matmul %convert_element_type3A_125, %get3A_128, %dot_general3A_129 {dimension_numbers = #tpu.dot_dimension_numbers<[1], [0], [0], [1], [0, 0, 1, 1], [], []>, transpose_lhs_hint = false} : vector<1024x256xbf16>, vector<256x768xbf16>, vector<1024x768xf32> -> vector<1024x768xf32>
    %get3A_131 = arith.constant 0 : index
    %get3A_132 = arith.constant 0 : index
    %get3A_133 = vector.load %arg23[%get3A_131, %get3A_132] : memref<1x768xf32, #tpu.memory_space<vmem>>, vector<1x768xf32>
    %add3A_134 = vector.broadcast %get3A_133 : vector<1x768xf32> to vector<1024x768xf32>
    %add3A_135 = arith.addf %dot_general3A_130, %add3A_134 : vector<1024x768xf32>
    %convert_element_type3A_136 = arith.truncf %add3A_135 : vector<1024x768xf32> to vector<1024x768xbf16>
    %iota3A = tpu.iota {dimensions = array<i32: 0>} : vector<256x256xi32>
    %jit3A = arith.constant 64 : i32
    %div3A_137 = vector.broadcast %jit3A : i32 to vector<256x256xi32>
    %div3A_138 = arith.divsi %iota3A, %div3A_137 : vector<256x256xi32>
    %sign3A = arith.constant 0 : i32
    %sign3A_139 = vector.broadcast %sign3A : i32 to vector<256x256xi32>
    %sign3A_140 = arith.cmpi sgt, %iota3A, %sign3A_139 : vector<256x256xi32>
    %sign3A_141 = arith.extui %sign3A_140 : vector<256x256xi1> to vector<256x256xi32>
    %sign3A_142 = arith.constant 0 : i32
    %sign3A_143 = vector.broadcast %sign3A_142 : i32 to vector<256x256xi32>
    %sign3A_144 = arith.cmpi slt, %iota3A, %sign3A_143 : vector<256x256xi32>
    %sign3A_145 = arith.extui %sign3A_144 : vector<256x256xi1> to vector<256x256xi32>
    %sign3A_146 = arith.subi %sign3A_141, %sign3A_145 : vector<256x256xi32>
    %sign3A_147 = arith.constant 0 : i32
    %sign3A_148 = arith.cmpi sgt, %jit3A, %sign3A_147 : i32
    %sign3A_149 = arith.extui %sign3A_148 : i1 to i32
    %sign3A_150 = arith.constant 0 : i32
    %sign3A_151 = arith.cmpi slt, %jit3A, %sign3A_150 : i32
    %sign3A_152 = arith.extui %sign3A_151 : i1 to i32
    %sign3A_153 = arith.subi %sign3A_149, %sign3A_152 : i32
    %ne3A = vector.broadcast %sign3A_153 : i32 to vector<256x256xi32>
    %ne3A_154 = arith.cmpi ne, %sign3A_146, %ne3A : vector<256x256xi32>
    %rem3A = vector.broadcast %jit3A : i32 to vector<256x256xi32>
    %rem3A_155 = arith.remsi %iota3A, %rem3A : vector<256x256xi32>
    %ne3A_156 = arith.constant 0 : i32
    %ne3A_157 = vector.broadcast %ne3A_156 : i32 to vector<256x256xi32>
    %ne3A_158 = arith.cmpi ne, %rem3A_155, %ne3A_157 : vector<256x256xi32>
    %and3A = arith.andi %ne3A_154, %ne3A_158 : vector<256x256xi1>
    %sub3A_159 = arith.constant 1 : i32
    %sub3A_160 = vector.broadcast %sub3A_159 : i32 to vector<256x256xi32>
    %sub3A_161 = arith.subi %div3A_138, %sub3A_160 : vector<256x256xi32>
    %select_n3A = arith.select %and3A, %sub3A_161, %div3A_138 : vector<256x256xi1>, vector<256x256xi32>
    %iota3A_162 = tpu.iota {dimensions = array<i32: 1>} : vector<256x256xi32>
    %jit3A_163 = arith.constant 64 : i32
    %div3A_164 = vector.broadcast %jit3A_163 : i32 to vector<256x256xi32>
    %div3A_165 = arith.divsi %iota3A_162, %div3A_164 : vector<256x256xi32>
    %sign3A_166 = arith.constant 0 : i32
    %sign3A_167 = vector.broadcast %sign3A_166 : i32 to vector<256x256xi32>
    %sign3A_168 = arith.cmpi sgt, %iota3A_162, %sign3A_167 : vector<256x256xi32>
    %sign3A_169 = arith.extui %sign3A_168 : vector<256x256xi1> to vector<256x256xi32>
    %sign3A_170 = arith.constant 0 : i32
    %sign3A_171 = vector.broadcast %sign3A_170 : i32 to vector<256x256xi32>
    %sign3A_172 = arith.cmpi slt, %iota3A_162, %sign3A_171 : vector<256x256xi32>
    %sign3A_173 = arith.extui %sign3A_172 : vector<256x256xi1> to vector<256x256xi32>
    %sign3A_174 = arith.subi %sign3A_169, %sign3A_173 : vector<256x256xi32>
    %sign3A_175 = arith.constant 0 : i32
    %sign3A_176 = arith.cmpi sgt, %jit3A_163, %sign3A_175 : i32
    %sign3A_177 = arith.extui %sign3A_176 : i1 to i32
    %sign3A_178 = arith.constant 0 : i32
    %sign3A_179 = arith.cmpi slt, %jit3A_163, %sign3A_178 : i32
    %sign3A_180 = arith.extui %sign3A_179 : i1 to i32
    %sign3A_181 = arith.subi %sign3A_177, %sign3A_180 : i32
    %ne3A_182 = vector.broadcast %sign3A_181 : i32 to vector<256x256xi32>
    %ne3A_183 = arith.cmpi ne, %sign3A_174, %ne3A_182 : vector<256x256xi32>
    %rem3A_184 = vector.broadcast %jit3A_163 : i32 to vector<256x256xi32>
    %rem3A_185 = arith.remsi %iota3A_162, %rem3A_184 : vector<256x256xi32>
    %ne3A_186 = arith.constant 0 : i32
    %ne3A_187 = vector.broadcast %ne3A_186 : i32 to vector<256x256xi32>
    %ne3A_188 = arith.cmpi ne, %rem3A_185, %ne3A_187 : vector<256x256xi32>
    %and3A_189 = arith.andi %ne3A_183, %ne3A_188 : vector<256x256xi1>
    %sub3A_190 = arith.constant 1 : i32
    %sub3A_191 = vector.broadcast %sub3A_190 : i32 to vector<256x256xi32>
    %sub3A_192 = arith.subi %div3A_165, %sub3A_191 : vector<256x256xi32>
    %select_n3A_193 = arith.select %and3A_189, %sub3A_192, %div3A_165 : vector<256x256xi1>, vector<256x256xi32>
    %eq3A = arith.cmpi eq, %select_n3A, %select_n3A_193 : vector<256x256xi32>
    %slice3A = vector.extract_strided_slice %convert_element_type3A_136 {offsets = [0, 0], sizes = [256, 128], strides = [1, 1]} : vector<1024x768xbf16> to vector<256x128xbf16>
    %slice3A_194 = vector.extract_strided_slice %convert_element_type3A_136 {offsets = [0, 256], sizes = [256, 128], strides = [1, 1]} : vector<1024x768xbf16> to vector<256x128xbf16>
    %slice3A_195 = vector.extract_strided_slice %convert_element_type3A_136 {offsets = [0, 512], sizes = [256, 128], strides = [1, 1]} : vector<1024x768xbf16> to vector<256x128xbf16>
    %dot_general3A_196 = arith.constant dense<0.000000e+00> : vector<256x256xf32>
    %dot_general3A_197 = tpu.matmul %slice3A, %slice3A_194, %dot_general3A_196 {dimension_numbers = #tpu.dot_dimension_numbers<[1], [1], [0], [0], [0, 0, 1, 0], [], []>, transpose_lhs_hint = false} : vector<256x128xbf16>, vector<256x128xbf16>, vector<256x256xf32> -> vector<256x256xf32>
    %mul3A_198 = arith.constant 0.144337565 : f32
    %mul3A_199 = vector.broadcast %mul3A_198 : f32 to vector<256x256xf32>
    %mul3A_200 = arith.mulf %dot_general3A_197, %mul3A_199 : vector<256x256xf32>
    %jit3A_201 = arith.constant -1.000000e+30 : f32
    %broadcast_in_dim3A_202 = vector.broadcast %jit3A_201 : f32 to vector<256x256xf32>
    %select_n3A_203 = arith.select %eq3A, %mul3A_200, %broadcast_in_dim3A_202 : vector<256x256xi1>, vector<256x256xf32>
    %reduce_max3A = arith.constant dense<0xFF800000> : vector<256xf32>
    %reduce_max3A_204 = vector.multi_reduction <maximumf>, %select_n3A_203, %reduce_max3A [1] : vector<256x256xf32> to vector<256xf32>
    %broadcast_in_dim3A_205 = vector.shape_cast %reduce_max3A_204 : vector<256xf32> to vector<256x1xf32>
    %sub3A_206 = vector.broadcast %broadcast_in_dim3A_205 : vector<256x1xf32> to vector<256x256xf32>
    %sub3A_207 = arith.subf %select_n3A_203, %sub3A_206 : vector<256x256xf32>
    %exp3A = math.exp %sub3A_207 : vector<256x256xf32>
    %reduce_sum3A_208 = arith.constant dense<0.000000e+00> : vector<256xf32>
    %reduce_sum3A_209 = vector.multi_reduction <add>, %exp3A, %reduce_sum3A_208 [1] : vector<256x256xf32> to vector<256xf32>
    %broadcast_in_dim3A_210 = vector.shape_cast %reduce_sum3A_209 : vector<256xf32> to vector<256x1xf32>
    %div3A_211 = vector.broadcast %broadcast_in_dim3A_210 : vector<256x1xf32> to vector<256x256xf32>
    %div3A_212 = arith.divf %exp3A, %div3A_211 : vector<256x256xf32>
    %convert_element_type3A_213 = arith.truncf %div3A_212 : vector<256x256xf32> to vector<256x256xbf16>
    %dot_general3A_214 = arith.constant dense<0.000000e+00> : vector<256x128xf32>
    %dot_general3A_215 = tpu.matmul %convert_element_type3A_213, %slice3A_195, %dot_general3A_214 {dimension_numbers = #tpu.dot_dimension_numbers<[1], [0], [0], [1], [0, 0, 1, 1], [], []>, transpose_lhs_hint = false} : vector<256x256xbf16>, vector<256x128xbf16>, vector<256x128xf32> -> vector<256x128xf32>
    %slice3A_216 = vector.extract_strided_slice %convert_element_type3A_136 {offsets = [0, 128], sizes = [256, 128], strides = [1, 1]} : vector<1024x768xbf16> to vector<256x128xbf16>
    %slice3A_217 = vector.extract_strided_slice %convert_element_type3A_136 {offsets = [0, 384], sizes = [256, 128], strides = [1, 1]} : vector<1024x768xbf16> to vector<256x128xbf16>
    %slice3A_218 = vector.extract_strided_slice %convert_element_type3A_136 {offsets = [0, 640], sizes = [256, 128], strides = [1, 1]} : vector<1024x768xbf16> to vector<256x128xbf16>
    %dot_general3A_219 = arith.constant dense<0.000000e+00> : vector<256x256xf32>
    %dot_general3A_220 = tpu.matmul %slice3A_216, %slice3A_217, %dot_general3A_219 {dimension_numbers = #tpu.dot_dimension_numbers<[1], [1], [0], [0], [0, 0, 1, 0], [], []>, transpose_lhs_hint = false} : vector<256x128xbf16>, vector<256x128xbf16>, vector<256x256xf32> -> vector<256x256xf32>
    %mul3A_221 = arith.constant 0.144337565 : f32
    %mul3A_222 = vector.broadcast %mul3A_221 : f32 to vector<256x256xf32>
    %mul3A_223 = arith.mulf %dot_general3A_220, %mul3A_222 : vector<256x256xf32>
    %jit3A_224 = arith.constant -1.000000e+30 : f32
    %broadcast_in_dim3A_225 = vector.broadcast %jit3A_224 : f32 to vector<256x256xf32>
    %select_n3A_226 = arith.select %eq3A, %mul3A_223, %broadcast_in_dim3A_225 : vector<256x256xi1>, vector<256x256xf32>
    %reduce_max3A_227 = arith.constant dense<0xFF800000> : vector<256xf32>
    %reduce_max3A_228 = vector.multi_reduction <maximumf>, %select_n3A_226, %reduce_max3A_227 [1] : vector<256x256xf32> to vector<256xf32>
    %broadcast_in_dim3A_229 = vector.shape_cast %reduce_max3A_228 : vector<256xf32> to vector<256x1xf32>
    %sub3A_230 = vector.broadcast %broadcast_in_dim3A_229 : vector<256x1xf32> to vector<256x256xf32>
    %sub3A_231 = arith.subf %select_n3A_226, %sub3A_230 : vector<256x256xf32>
    %exp3A_232 = math.exp %sub3A_231 : vector<256x256xf32>
    %reduce_sum3A_233 = arith.constant dense<0.000000e+00> : vector<256xf32>
    %reduce_sum3A_234 = vector.multi_reduction <add>, %exp3A_232, %reduce_sum3A_233 [1] : vector<256x256xf32> to vector<256xf32>
    %broadcast_in_dim3A_235 = vector.shape_cast %reduce_sum3A_234 : vector<256xf32> to vector<256x1xf32>
    %div3A_236 = vector.broadcast %broadcast_in_dim3A_235 : vector<256x1xf32> to vector<256x256xf32>
    %div3A_237 = arith.divf %exp3A_232, %div3A_236 : vector<256x256xf32>
    %convert_element_type3A_238 = arith.truncf %div3A_237 : vector<256x256xf32> to vector<256x256xbf16>
    %dot_general3A_239 = arith.constant dense<0.000000e+00> : vector<256x128xf32>
    %dot_general3A_240 = tpu.matmul %convert_element_type3A_238, %slice3A_218, %dot_general3A_239 {dimension_numbers = #tpu.dot_dimension_numbers<[1], [0], [0], [1], [0, 0, 1, 1], [], []>, transpose_lhs_hint = false} : vector<256x256xbf16>, vector<256x128xbf16>, vector<256x128xf32> -> vector<256x128xf32>
    %concatenate3A_241 = tpu.concatenate %dot_general3A_215, %dot_general3A_240 in 1 : vector<256x128xf32>, vector<256x128xf32> -> vector<256x256xf32>
    %slice3A_242 = vector.extract_strided_slice %convert_element_type3A_136 {offsets = [256, 0], sizes = [256, 128], strides = [1, 1]} : vector<1024x768xbf16> to vector<256x128xbf16>
    %slice3A_243 = vector.extract_strided_slice %convert_element_type3A_136 {offsets = [256, 256], sizes = [256, 128], strides = [1, 1]} : vector<1024x768xbf16> to vector<256x128xbf16>
    %slice3A_244 = vector.extract_strided_slice %convert_element_type3A_136 {offsets = [256, 512], sizes = [256, 128], strides = [1, 1]} : vector<1024x768xbf16> to vector<256x128xbf16>
    %dot_general3A_245 = arith.constant dense<0.000000e+00> : vector<256x256xf32>
    %dot_general3A_246 = tpu.matmul %slice3A_242, %slice3A_243, %dot_general3A_245 {dimension_numbers = #tpu.dot_dimension_numbers<[1], [1], [0], [0], [0, 0, 1, 0], [], []>, transpose_lhs_hint = false} : vector<256x128xbf16>, vector<256x128xbf16>, vector<256x256xf32> -> vector<256x256xf32>
    %mul3A_247 = arith.constant 0.144337565 : f32
    %mul3A_248 = vector.broadcast %mul3A_247 : f32 to vector<256x256xf32>
    %mul3A_249 = arith.mulf %dot_general3A_246, %mul3A_248 : vector<256x256xf32>
    %jit3A_250 = arith.constant -1.000000e+30 : f32
    %broadcast_in_dim3A_251 = vector.broadcast %jit3A_250 : f32 to vector<256x256xf32>
    %select_n3A_252 = arith.select %eq3A, %mul3A_249, %broadcast_in_dim3A_251 : vector<256x256xi1>, vector<256x256xf32>
    %reduce_max3A_253 = arith.constant dense<0xFF800000> : vector<256xf32>
    %reduce_max3A_254 = vector.multi_reduction <maximumf>, %select_n3A_252, %reduce_max3A_253 [1] : vector<256x256xf32> to vector<256xf32>
    %broadcast_in_dim3A_255 = vector.shape_cast %reduce_max3A_254 : vector<256xf32> to vector<256x1xf32>
    %sub3A_256 = vector.broadcast %broadcast_in_dim3A_255 : vector<256x1xf32> to vector<256x256xf32>
    %sub3A_257 = arith.subf %select_n3A_252, %sub3A_256 : vector<256x256xf32>
    %exp3A_258 = math.exp %sub3A_257 : vector<256x256xf32>
    %reduce_sum3A_259 = arith.constant dense<0.000000e+00> : vector<256xf32>
    %reduce_sum3A_260 = vector.multi_reduction <add>, %exp3A_258, %reduce_sum3A_259 [1] : vector<256x256xf32> to vector<256xf32>
    %broadcast_in_dim3A_261 = vector.shape_cast %reduce_sum3A_260 : vector<256xf32> to vector<256x1xf32>
    %div3A_262 = vector.broadcast %broadcast_in_dim3A_261 : vector<256x1xf32> to vector<256x256xf32>
    %div3A_263 = arith.divf %exp3A_258, %div3A_262 : vector<256x256xf32>
    %convert_element_type3A_264 = arith.truncf %div3A_263 : vector<256x256xf32> to vector<256x256xbf16>
    %dot_general3A_265 = arith.constant dense<0.000000e+00> : vector<256x128xf32>
    %dot_general3A_266 = tpu.matmul %convert_element_type3A_264, %slice3A_244, %dot_general3A_265 {dimension_numbers = #tpu.dot_dimension_numbers<[1], [0], [0], [1], [0, 0, 1, 1], [], []>, transpose_lhs_hint = false} : vector<256x256xbf16>, vector<256x128xbf16>, vector<256x128xf32> -> vector<256x128xf32>
    %slice3A_267 = vector.extract_strided_slice %convert_element_type3A_136 {offsets = [256, 128], sizes = [256, 128], strides = [1, 1]} : vector<1024x768xbf16> to vector<256x128xbf16>
    %slice3A_268 = vector.extract_strided_slice %convert_element_type3A_136 {offsets = [256, 384], sizes = [256, 128], strides = [1, 1]} : vector<1024x768xbf16> to vector<256x128xbf16>
    %slice3A_269 = vector.extract_strided_slice %convert_element_type3A_136 {offsets = [256, 640], sizes = [256, 128], strides = [1, 1]} : vector<1024x768xbf16> to vector<256x128xbf16>
    %dot_general3A_270 = arith.constant dense<0.000000e+00> : vector<256x256xf32>
    %dot_general3A_271 = tpu.matmul %slice3A_267, %slice3A_268, %dot_general3A_270 {dimension_numbers = #tpu.dot_dimension_numbers<[1], [1], [0], [0], [0, 0, 1, 0], [], []>, transpose_lhs_hint = false} : vector<256x128xbf16>, vector<256x128xbf16>, vector<256x256xf32> -> vector<256x256xf32>
    %mul3A_272 = arith.constant 0.144337565 : f32
    %mul3A_273 = vector.broadcast %mul3A_272 : f32 to vector<256x256xf32>
    %mul3A_274 = arith.mulf %dot_general3A_271, %mul3A_273 : vector<256x256xf32>
    %jit3A_275 = arith.constant -1.000000e+30 : f32
    %broadcast_in_dim3A_276 = vector.broadcast %jit3A_275 : f32 to vector<256x256xf32>
    %select_n3A_277 = arith.select %eq3A, %mul3A_274, %broadcast_in_dim3A_276 : vector<256x256xi1>, vector<256x256xf32>
    %reduce_max3A_278 = arith.constant dense<0xFF800000> : vector<256xf32>
    %reduce_max3A_279 = vector.multi_reduction <maximumf>, %select_n3A_277, %reduce_max3A_278 [1] : vector<256x256xf32> to vector<256xf32>
    %broadcast_in_dim3A_280 = vector.shape_cast %reduce_max3A_279 : vector<256xf32> to vector<256x1xf32>
    %sub3A_281 = vector.broadcast %broadcast_in_dim3A_280 : vector<256x1xf32> to vector<256x256xf32>
    %sub3A_282 = arith.subf %select_n3A_277, %sub3A_281 : vector<256x256xf32>
    %exp3A_283 = math.exp %sub3A_282 : vector<256x256xf32>
    %reduce_sum3A_284 = arith.constant dense<0.000000e+00> : vector<256xf32>
    %reduce_sum3A_285 = vector.multi_reduction <add>, %exp3A_283, %reduce_sum3A_284 [1] : vector<256x256xf32> to vector<256xf32>
    %broadcast_in_dim3A_286 = vector.shape_cast %reduce_sum3A_285 : vector<256xf32> to vector<256x1xf32>
    %div3A_287 = vector.broadcast %broadcast_in_dim3A_286 : vector<256x1xf32> to vector<256x256xf32>
    %div3A_288 = arith.divf %exp3A_283, %div3A_287 : vector<256x256xf32>
    %convert_element_type3A_289 = arith.truncf %div3A_288 : vector<256x256xf32> to vector<256x256xbf16>
    %dot_general3A_290 = arith.constant dense<0.000000e+00> : vector<256x128xf32>
    %dot_general3A_291 = tpu.matmul %convert_element_type3A_289, %slice3A_269, %dot_general3A_290 {dimension_numbers = #tpu.dot_dimension_numbers<[1], [0], [0], [1], [0, 0, 1, 1], [], []>, transpose_lhs_hint = false} : vector<256x256xbf16>, vector<256x128xbf16>, vector<256x128xf32> -> vector<256x128xf32>
    %concatenate3A_292 = tpu.concatenate %dot_general3A_266, %dot_general3A_291 in 1 : vector<256x128xf32>, vector<256x128xf32> -> vector<256x256xf32>
    %slice3A_293 = vector.extract_strided_slice %convert_element_type3A_136 {offsets = [512, 0], sizes = [256, 128], strides = [1, 1]} : vector<1024x768xbf16> to vector<256x128xbf16>
    %slice3A_294 = vector.extract_strided_slice %convert_element_type3A_136 {offsets = [512, 256], sizes = [256, 128], strides = [1, 1]} : vector<1024x768xbf16> to vector<256x128xbf16>
    %slice3A_295 = vector.extract_strided_slice %convert_element_type3A_136 {offsets = [512, 512], sizes = [256, 128], strides = [1, 1]} : vector<1024x768xbf16> to vector<256x128xbf16>
    %dot_general3A_296 = arith.constant dense<0.000000e+00> : vector<256x256xf32>
    %dot_general3A_297 = tpu.matmul %slice3A_293, %slice3A_294, %dot_general3A_296 {dimension_numbers = #tpu.dot_dimension_numbers<[1], [1], [0], [0], [0, 0, 1, 0], [], []>, transpose_lhs_hint = false} : vector<256x128xbf16>, vector<256x128xbf16>, vector<256x256xf32> -> vector<256x256xf32>
    %mul3A_298 = arith.constant 0.144337565 : f32
    %mul3A_299 = vector.broadcast %mul3A_298 : f32 to vector<256x256xf32>
    %mul3A_300 = arith.mulf %dot_general3A_297, %mul3A_299 : vector<256x256xf32>
    %jit3A_301 = arith.constant -1.000000e+30 : f32
    %broadcast_in_dim3A_302 = vector.broadcast %jit3A_301 : f32 to vector<256x256xf32>
    %select_n3A_303 = arith.select %eq3A, %mul3A_300, %broadcast_in_dim3A_302 : vector<256x256xi1>, vector<256x256xf32>
    %reduce_max3A_304 = arith.constant dense<0xFF800000> : vector<256xf32>
    %reduce_max3A_305 = vector.multi_reduction <maximumf>, %select_n3A_303, %reduce_max3A_304 [1] : vector<256x256xf32> to vector<256xf32>
    %broadcast_in_dim3A_306 = vector.shape_cast %reduce_max3A_305 : vector<256xf32> to vector<256x1xf32>
    %sub3A_307 = vector.broadcast %broadcast_in_dim3A_306 : vector<256x1xf32> to vector<256x256xf32>
    %sub3A_308 = arith.subf %select_n3A_303, %sub3A_307 : vector<256x256xf32>
    %exp3A_309 = math.exp %sub3A_308 : vector<256x256xf32>
    %reduce_sum3A_310 = arith.constant dense<0.000000e+00> : vector<256xf32>
    %reduce_sum3A_311 = vector.multi_reduction <add>, %exp3A_309, %reduce_sum3A_310 [1] : vector<256x256xf32> to vector<256xf32>
    %broadcast_in_dim3A_312 = vector.shape_cast %reduce_sum3A_311 : vector<256xf32> to vector<256x1xf32>
    %div3A_313 = vector.broadcast %broadcast_in_dim3A_312 : vector<256x1xf32> to vector<256x256xf32>
    %div3A_314 = arith.divf %exp3A_309, %div3A_313 : vector<256x256xf32>
    %convert_element_type3A_315 = arith.truncf %div3A_314 : vector<256x256xf32> to vector<256x256xbf16>
    %dot_general3A_316 = arith.constant dense<0.000000e+00> : vector<256x128xf32>
    %dot_general3A_317 = tpu.matmul %convert_element_type3A_315, %slice3A_295, %dot_general3A_316 {dimension_numbers = #tpu.dot_dimension_numbers<[1], [0], [0], [1], [0, 0, 1, 1], [], []>, transpose_lhs_hint = false} : vector<256x256xbf16>, vector<256x128xbf16>, vector<256x128xf32> -> vector<256x128xf32>
    %slice3A_318 = vector.extract_strided_slice %convert_element_type3A_136 {offsets = [512, 128], sizes = [256, 128], strides = [1, 1]} : vector<1024x768xbf16> to vector<256x128xbf16>
    %slice3A_319 = vector.extract_strided_slice %convert_element_type3A_136 {offsets = [512, 384], sizes = [256, 128], strides = [1, 1]} : vector<1024x768xbf16> to vector<256x128xbf16>
    %slice3A_320 = vector.extract_strided_slice %convert_element_type3A_136 {offsets = [512, 640], sizes = [256, 128], strides = [1, 1]} : vector<1024x768xbf16> to vector<256x128xbf16>
    %dot_general3A_321 = arith.constant dense<0.000000e+00> : vector<256x256xf32>
    %dot_general3A_322 = tpu.matmul %slice3A_318, %slice3A_319, %dot_general3A_321 {dimension_numbers = #tpu.dot_dimension_numbers<[1], [1], [0], [0], [0, 0, 1, 0], [], []>, transpose_lhs_hint = false} : vector<256x128xbf16>, vector<256x128xbf16>, vector<256x256xf32> -> vector<256x256xf32>
    %mul3A_323 = arith.constant 0.144337565 : f32
    %mul3A_324 = vector.broadcast %mul3A_323 : f32 to vector<256x256xf32>
    %mul3A_325 = arith.mulf %dot_general3A_322, %mul3A_324 : vector<256x256xf32>
    %jit3A_326 = arith.constant -1.000000e+30 : f32
    %broadcast_in_dim3A_327 = vector.broadcast %jit3A_326 : f32 to vector<256x256xf32>
    %select_n3A_328 = arith.select %eq3A, %mul3A_325, %broadcast_in_dim3A_327 : vector<256x256xi1>, vector<256x256xf32>
    %reduce_max3A_329 = arith.constant dense<0xFF800000> : vector<256xf32>
    %reduce_max3A_330 = vector.multi_reduction <maximumf>, %select_n3A_328, %reduce_max3A_329 [1] : vector<256x256xf32> to vector<256xf32>
    %broadcast_in_dim3A_331 = vector.shape_cast %reduce_max3A_330 : vector<256xf32> to vector<256x1xf32>
    %sub3A_332 = vector.broadcast %broadcast_in_dim3A_331 : vector<256x1xf32> to vector<256x256xf32>
    %sub3A_333 = arith.subf %select_n3A_328, %sub3A_332 : vector<256x256xf32>
    %exp3A_334 = math.exp %sub3A_333 : vector<256x256xf32>
    %reduce_sum3A_335 = arith.constant dense<0.000000e+00> : vector<256xf32>
    %reduce_sum3A_336 = vector.multi_reduction <add>, %exp3A_334, %reduce_sum3A_335 [1] : vector<256x256xf32> to vector<256xf32>
    %broadcast_in_dim3A_337 = vector.shape_cast %reduce_sum3A_336 : vector<256xf32> to vector<256x1xf32>
    %div3A_338 = vector.broadcast %broadcast_in_dim3A_337 : vector<256x1xf32> to vector<256x256xf32>
    %div3A_339 = arith.divf %exp3A_334, %div3A_338 : vector<256x256xf32>
    %convert_element_type3A_340 = arith.truncf %div3A_339 : vector<256x256xf32> to vector<256x256xbf16>
    %dot_general3A_341 = arith.constant dense<0.000000e+00> : vector<256x128xf32>
    %dot_general3A_342 = tpu.matmul %convert_element_type3A_340, %slice3A_320, %dot_general3A_341 {dimension_numbers = #tpu.dot_dimension_numbers<[1], [0], [0], [1], [0, 0, 1, 1], [], []>, transpose_lhs_hint = false} : vector<256x256xbf16>, vector<256x128xbf16>, vector<256x128xf32> -> vector<256x128xf32>
    %concatenate3A_343 = tpu.concatenate %dot_general3A_317, %dot_general3A_342 in 1 : vector<256x128xf32>, vector<256x128xf32> -> vector<256x256xf32>
    %slice3A_344 = vector.extract_strided_slice %convert_element_type3A_136 {offsets = [768, 0], sizes = [256, 128], strides = [1, 1]} : vector<1024x768xbf16> to vector<256x128xbf16>
    %slice3A_345 = vector.extract_strided_slice %convert_element_type3A_136 {offsets = [768, 256], sizes = [256, 128], strides = [1, 1]} : vector<1024x768xbf16> to vector<256x128xbf16>
    %slice3A_346 = vector.extract_strided_slice %convert_element_type3A_136 {offsets = [768, 512], sizes = [256, 128], strides = [1, 1]} : vector<1024x768xbf16> to vector<256x128xbf16>
    %dot_general3A_347 = arith.constant dense<0.000000e+00> : vector<256x256xf32>
    %dot_general3A_348 = tpu.matmul %slice3A_344, %slice3A_345, %dot_general3A_347 {dimension_numbers = #tpu.dot_dimension_numbers<[1], [1], [0], [0], [0, 0, 1, 0], [], []>, transpose_lhs_hint = false} : vector<256x128xbf16>, vector<256x128xbf16>, vector<256x256xf32> -> vector<256x256xf32>
    %mul3A_349 = arith.constant 0.144337565 : f32
    %mul3A_350 = vector.broadcast %mul3A_349 : f32 to vector<256x256xf32>
    %mul3A_351 = arith.mulf %dot_general3A_348, %mul3A_350 : vector<256x256xf32>
    %jit3A_352 = arith.constant -1.000000e+30 : f32
    %broadcast_in_dim3A_353 = vector.broadcast %jit3A_352 : f32 to vector<256x256xf32>
    %select_n3A_354 = arith.select %eq3A, %mul3A_351, %broadcast_in_dim3A_353 : vector<256x256xi1>, vector<256x256xf32>
    %reduce_max3A_355 = arith.constant dense<0xFF800000> : vector<256xf32>
    %reduce_max3A_356 = vector.multi_reduction <maximumf>, %select_n3A_354, %reduce_max3A_355 [1] : vector<256x256xf32> to vector<256xf32>
    %broadcast_in_dim3A_357 = vector.shape_cast %reduce_max3A_356 : vector<256xf32> to vector<256x1xf32>
    %sub3A_358 = vector.broadcast %broadcast_in_dim3A_357 : vector<256x1xf32> to vector<256x256xf32>
    %sub3A_359 = arith.subf %select_n3A_354, %sub3A_358 : vector<256x256xf32>
    %exp3A_360 = math.exp %sub3A_359 : vector<256x256xf32>
    %reduce_sum3A_361 = arith.constant dense<0.000000e+00> : vector<256xf32>
    %reduce_sum3A_362 = vector.multi_reduction <add>, %exp3A_360, %reduce_sum3A_361 [1] : vector<256x256xf32> to vector<256xf32>
    %broadcast_in_dim3A_363 = vector.shape_cast %reduce_sum3A_362 : vector<256xf32> to vector<256x1xf32>
    %div3A_364 = vector.broadcast %broadcast_in_dim3A_363 : vector<256x1xf32> to vector<256x256xf32>
    %div3A_365 = arith.divf %exp3A_360, %div3A_364 : vector<256x256xf32>
    %convert_element_type3A_366 = arith.truncf %div3A_365 : vector<256x256xf32> to vector<256x256xbf16>
    %dot_general3A_367 = arith.constant dense<0.000000e+00> : vector<256x128xf32>
    %dot_general3A_368 = tpu.matmul %convert_element_type3A_366, %slice3A_346, %dot_general3A_367 {dimension_numbers = #tpu.dot_dimension_numbers<[1], [0], [0], [1], [0, 0, 1, 1], [], []>, transpose_lhs_hint = false} : vector<256x256xbf16>, vector<256x128xbf16>, vector<256x128xf32> -> vector<256x128xf32>
    %slice3A_369 = vector.extract_strided_slice %convert_element_type3A_136 {offsets = [768, 128], sizes = [256, 128], strides = [1, 1]} : vector<1024x768xbf16> to vector<256x128xbf16>
    %slice3A_370 = vector.extract_strided_slice %convert_element_type3A_136 {offsets = [768, 384], sizes = [256, 128], strides = [1, 1]} : vector<1024x768xbf16> to vector<256x128xbf16>
    %slice3A_371 = vector.extract_strided_slice %convert_element_type3A_136 {offsets = [768, 640], sizes = [256, 128], strides = [1, 1]} : vector<1024x768xbf16> to vector<256x128xbf16>
    %dot_general3A_372 = arith.constant dense<0.000000e+00> : vector<256x256xf32>
    %dot_general3A_373 = tpu.matmul %slice3A_369, %slice3A_370, %dot_general3A_372 {dimension_numbers = #tpu.dot_dimension_numbers<[1], [1], [0], [0], [0, 0, 1, 0], [], []>, transpose_lhs_hint = false} : vector<256x128xbf16>, vector<256x128xbf16>, vector<256x256xf32> -> vector<256x256xf32>
    %mul3A_374 = arith.constant 0.144337565 : f32
    %mul3A_375 = vector.broadcast %mul3A_374 : f32 to vector<256x256xf32>
    %mul3A_376 = arith.mulf %dot_general3A_373, %mul3A_375 : vector<256x256xf32>
    %jit3A_377 = arith.constant -1.000000e+30 : f32
    %broadcast_in_dim3A_378 = vector.broadcast %jit3A_377 : f32 to vector<256x256xf32>
    %select_n3A_379 = arith.select %eq3A, %mul3A_376, %broadcast_in_dim3A_378 : vector<256x256xi1>, vector<256x256xf32>
    %reduce_max3A_380 = arith.constant dense<0xFF800000> : vector<256xf32>
    %reduce_max3A_381 = vector.multi_reduction <maximumf>, %select_n3A_379, %reduce_max3A_380 [1] : vector<256x256xf32> to vector<256xf32>
    %broadcast_in_dim3A_382 = vector.shape_cast %reduce_max3A_381 : vector<256xf32> to vector<256x1xf32>
    %sub3A_383 = vector.broadcast %broadcast_in_dim3A_382 : vector<256x1xf32> to vector<256x256xf32>
    %sub3A_384 = arith.subf %select_n3A_379, %sub3A_383 : vector<256x256xf32>
    %exp3A_385 = math.exp %sub3A_384 : vector<256x256xf32>
    %reduce_sum3A_386 = arith.constant dense<0.000000e+00> : vector<256xf32>
    %reduce_sum3A_387 = vector.multi_reduction <add>, %exp3A_385, %reduce_sum3A_386 [1] : vector<256x256xf32> to vector<256xf32>
    %broadcast_in_dim3A_388 = vector.shape_cast %reduce_sum3A_387 : vector<256xf32> to vector<256x1xf32>
    %div3A_389 = vector.broadcast %broadcast_in_dim3A_388 : vector<256x1xf32> to vector<256x256xf32>
    %div3A_390 = arith.divf %exp3A_385, %div3A_389 : vector<256x256xf32>
    %convert_element_type3A_391 = arith.truncf %div3A_390 : vector<256x256xf32> to vector<256x256xbf16>
    %dot_general3A_392 = arith.constant dense<0.000000e+00> : vector<256x128xf32>
    %dot_general3A_393 = tpu.matmul %convert_element_type3A_391, %slice3A_371, %dot_general3A_392 {dimension_numbers = #tpu.dot_dimension_numbers<[1], [0], [0], [1], [0, 0, 1, 1], [], []>, transpose_lhs_hint = false} : vector<256x256xbf16>, vector<256x128xbf16>, vector<256x128xf32> -> vector<256x128xf32>
    %concatenate3A_394 = tpu.concatenate %dot_general3A_368, %dot_general3A_393 in 1 : vector<256x128xf32>, vector<256x128xf32> -> vector<256x256xf32>
    %concatenate3A_395 = tpu.concatenate %concatenate3A_241, %concatenate3A_292, %concatenate3A_343, %concatenate3A_394 in 0 : vector<256x256xf32>, vector<256x256xf32>, vector<256x256xf32>, vector<256x256xf32> -> vector<1024x256xf32>
    %add3A_396 = arith.addf %mul3A_124, %concatenate3A_395 : vector<1024x256xf32>
    %convert_element_type3A_397 = arith.truncf %add3A_396 : vector<1024x256xf32> to vector<1024x256xbf16>
    %get3A_398 = arith.constant 0 : index
    %get3A_399 = arith.constant 0 : index
    %get3A_400 = vector.load %arg24[%get3A_398, %get3A_399] : memref<256x96xbf16, #tpu.memory_space<vmem>>, vector<256x96xbf16>
    %dot_general3A_401 = arith.constant dense<0.000000e+00> : vector<1024x96xf32>
    %dot_general3A_402 = tpu.matmul %convert_element_type3A_397, %get3A_400, %dot_general3A_401 {dimension_numbers = #tpu.dot_dimension_numbers<[1], [0], [0], [1], [0, 0, 1, 1], [], []>, transpose_lhs_hint = false} : vector<1024x256xbf16>, vector<256x96xbf16>, vector<1024x96xf32> -> vector<1024x96xf32>
    %get3A_403 = arith.constant 0 : index
    %get3A_404 = arith.constant 0 : index
    %get3A_405 = vector.load %arg25[%get3A_403, %get3A_404] : memref<1x96xf32, #tpu.memory_space<vmem>>, vector<1x96xf32>
    %add3A_406 = vector.broadcast %get3A_405 : vector<1x96xf32> to vector<1024x96xf32>
    %add3A_407 = arith.addf %dot_general3A_402, %add3A_406 : vector<1024x96xf32>
    %mul3A_408 = arith.constant 5.000000e-01 : f32
    %mul3A_409 = vector.broadcast %mul3A_408 : f32 to vector<1024x96xf32>
    %mul3A_410 = arith.mulf %mul3A_409, %add3A_407 : vector<1024x96xf32>
    %mul3A_411 = arith.constant 0.707106769 : f32
    %mul3A_412 = vector.broadcast %mul3A_411 : f32 to vector<1024x96xf32>
    %mul3A_413 = arith.mulf %add3A_407, %mul3A_412 : vector<1024x96xf32>
    %erf3A_414 = math.erf %mul3A_413 : vector<1024x96xf32>
    %add3A_415 = arith.constant 1.000000e+00 : f32
    %add3A_416 = vector.broadcast %add3A_415 : f32 to vector<1024x96xf32>
    %add3A_417 = arith.addf %add3A_416, %erf3A_414 : vector<1024x96xf32>
    %mul3A_418 = arith.mulf %mul3A_410, %add3A_417 : vector<1024x96xf32>
    %add3A_419 = arith.addf %concatenate3A, %add3A_105 : vector<1024x96xf32>
    %add3A_420 = arith.addf %add3A_419, %mul3A_418 : vector<1024x96xf32>
    %swap3A = arith.constant 0 : index
    %swap3A_421 = arith.constant 0 : index
    %swap3A_422 = vector.load %arg26[%swap3A, %swap3A_421] : memref<1024x96xf32, #tpu.memory_space<vmem>>, vector<1024x96xf32>
    tpu.vector_store %arg26[%swap3A, %swap3A_421], %add3A_420 {strides = array<i32>} : memref<1024x96xf32, #tpu.memory_space<vmem>>, vector<1024x96xf32>,
    return
  }
  func.func @transform_0(%arg0: i32, %arg1: memref<1424xi32, #tpu.memory_space<smem>>) -> (i32, i32, i32) {
    %mul3A = arith.constant 16 : i32
    %mul3A_0 = arith.muli %arg0, %mul3A : i32
    %add3A = arith.constant 0 : i32
    %add3A_1 = arith.addi %mul3A_0, %add3A : i32
    %get3A = arith.index_cast %add3A_1 : i32 to index
    %get3A_2 = memref.load %arg1[%get3A] : memref<1424xi32, #tpu.memory_space<smem>>
    %c0_i32 = arith.constant 0 : i32
    %c0_i32_3 = arith.constant 0 : i32
    %c0_i32_4 = arith.constant 0 : i32
    return %get3A_2, %c0_i32, %c0_i32_3 : i32, i32, i32
  }
  func.func @transform_1(%arg0: i32, %arg1: memref<1424xi32, #tpu.memory_space<smem>>) -> (i32, i32, i32) {
    %mul3A = arith.constant 16 : i32
    %mul3A_0 = arith.muli %arg0, %mul3A : i32
    %add3A = arith.constant 1 : i32
    %add3A_1 = arith.addi %mul3A_0, %add3A : i32
    %get3A = arith.index_cast %add3A_1 : i32 to index
    %get3A_2 = memref.load %arg1[%get3A] : memref<1424xi32, #tpu.memory_space<smem>>
    %c0_i32 = arith.constant 0 : i32
    %c0_i32_3 = arith.constant 0 : i32
    %c0_i32_4 = arith.constant 0 : i32
    return %get3A_2, %c0_i32, %c0_i32_3 : i32, i32, i32
  }
  func.func @transform_2(%arg0: i32, %arg1: memref<1424xi32, #tpu.memory_space<smem>>) -> (i32, i32, i32) {
    %mul3A = arith.constant 16 : i32
    %mul3A_0 = arith.muli %arg0, %mul3A : i32
    %add3A = arith.constant 2 : i32
    %add3A_1 = arith.addi %mul3A_0, %add3A : i32
    %get3A = arith.index_cast %add3A_1 : i32 to index
    %get3A_2 = memref.load %arg1[%get3A] : memref<1424xi32, #tpu.memory_space<smem>>
    %c0_i32 = arith.constant 0 : i32
    %c0_i32_3 = arith.constant 0 : i32
    %c0_i32_4 = arith.constant 0 : i32
    return %get3A_2, %c0_i32, %c0_i32_3 : i32, i32, i32
  }
  func.func @transform_3(%arg0: i32, %arg1: memref<1424xi32, #tpu.memory_space<smem>>) -> (i32, i32, i32) {
    %mul3A = arith.constant 16 : i32
    %mul3A_0 = arith.muli %arg0, %mul3A : i32
    %add3A = arith.constant 3 : i32
    %add3A_1 = arith.addi %mul3A_0, %add3A : i32
    %get3A = arith.index_cast %add3A_1 : i32 to index
    %get3A_2 = memref.load %arg1[%get3A] : memref<1424xi32, #tpu.memory_space<smem>>
    %c0_i32 = arith.constant 0 : i32
    %c0_i32_3 = arith.constant 0 : i32
    %c0_i32_4 = arith.constant 0 : i32
    return %get3A_2, %c0_i32, %c0_i32_3 : i32, i32, i32
  }
  func.func @transform_4(%arg0: i32, %arg1: memref<1424xi32, #tpu.memory_space<smem>>) -> (i32, i32, i32) {
    %mul3A = arith.constant 16 : i32
    %mul3A_0 = arith.muli %arg0, %mul3A : i32
    %add3A = arith.constant 4 : i32
    %add3A_1 = arith.addi %mul3A_0, %add3A : i32
    %get3A = arith.index_cast %add3A_1 : i32 to index
    %get3A_2 = memref.load %arg1[%get3A] : memref<1424xi32, #tpu.memory_space<smem>>
    %c0_i32 = arith.constant 0 : i32
    %c0_i32_3 = arith.constant 0 : i32
    %c0_i32_4 = arith.constant 0 : i32
    return %get3A_2, %c0_i32, %c0_i32_3 : i32, i32, i32
  }
  func.func @transform_5(%arg0: i32, %arg1: memref<1424xi32, #tpu.memory_space<smem>>) -> (i32, i32, i32) {
    %mul3A = arith.constant 16 : i32
    %mul3A_0 = arith.muli %arg0, %mul3A : i32
    %add3A = arith.constant 5 : i32
    %add3A_1 = arith.addi %mul3A_0, %add3A : i32
    %get3A = arith.index_cast %add3A_1 : i32 to index
    %get3A_2 = memref.load %arg1[%get3A] : memref<1424xi32, #tpu.memory_space<smem>>
    %c0_i32 = arith.constant 0 : i32
    %c0_i32_3 = arith.constant 0 : i32
    %c0_i32_4 = arith.constant 0 : i32
    return %get3A_2, %c0_i32, %c0_i32_3 : i32, i32, i32
  }
  func.func @transform_6(%arg0: i32, %arg1: memref<1424xi32, #tpu.memory_space<smem>>) -> (i32, i32, i32) {
    %mul3A = arith.constant 16 : i32
    %mul3A_0 = arith.muli %arg0, %mul3A : i32
    %add3A = arith.constant 6 : i32
    %add3A_1 = arith.addi %mul3A_0, %add3A : i32
    %get3A = arith.index_cast %add3A_1 : i32 to index
    %get3A_2 = memref.load %arg1[%get3A] : memref<1424xi32, #tpu.memory_space<smem>>
    %c0_i32 = arith.constant 0 : i32
    %c0_i32_3 = arith.constant 0 : i32
    %c0_i32_4 = arith.constant 0 : i32
    return %get3A_2, %c0_i32, %c0_i32_3 : i32, i32, i32
  }
  func.func @transform_7(%arg0: i32, %arg1: memref<1424xi32, #tpu.memory_space<smem>>) -> (i32, i32, i32) {
    %mul3A = arith.constant 16 : i32
    %mul3A_0 = arith.muli %arg0, %mul3A : i32
    %add3A = arith.constant 7 : i32
    %add3A_1 = arith.addi %mul3A_0, %add3A : i32
    %get3A = arith.index_cast %add3A_1 : i32 to index
    %get3A_2 = memref.load %arg1[%get3A] : memref<1424xi32, #tpu.memory_space<smem>>
    %c0_i32 = arith.constant 0 : i32
    %c0_i32_3 = arith.constant 0 : i32
    %c0_i32_4 = arith.constant 0 : i32
    return %get3A_2, %c0_i32, %c0_i32_3 : i32, i32, i32
  }
  func.func @transform_8(%arg0: i32, %arg1: memref<1424xi32, #tpu.memory_space<smem>>) -> (i32, i32, i32) {
    %mul3A = arith.constant 16 : i32
    %mul3A_0 = arith.muli %arg0, %mul3A : i32
    %add3A = arith.constant 8 : i32
    %add3A_1 = arith.addi %mul3A_0, %add3A : i32
    %get3A = arith.index_cast %add3A_1 : i32 to index
    %get3A_2 = memref.load %arg1[%get3A] : memref<1424xi32, #tpu.memory_space<smem>>
    %c0_i32 = arith.constant 0 : i32
    %c0_i32_3 = arith.constant 0 : i32
    %c0_i32_4 = arith.constant 0 : i32
    return %get3A_2, %c0_i32, %c0_i32_3 : i32, i32, i32
  }
  func.func @transform_9(%arg0: i32, %arg1: memref<1424xi32, #tpu.memory_space<smem>>) -> (i32, i32, i32) {
    %mul3A = arith.constant 16 : i32
    %mul3A_0 = arith.muli %arg0, %mul3A : i32
    %add3A = arith.constant 9 : i32
    %add3A_1 = arith.addi %mul3A_0, %add3A : i32
    %get3A = arith.index_cast %add3A_1 : i32 to index
    %get3A_2 = memref.load %arg1[%get3A] : memref<1424xi32, #tpu.memory_space<smem>>
    %c0_i32 = arith.constant 0 : i32
    %c0_i32_3 = arith.constant 0 : i32
    %c0_i32_4 = arith.constant 0 : i32
    return %get3A_2, %c0_i32, %c0_i32_3 : i32, i32, i32
  }
  func.func @transform_10(%arg0: i32, %arg1: memref<1424xi32, #tpu.memory_space<smem>>) -> (i32, i32, i32) {
    %mul3A = arith.constant 16 : i32
    %mul3A_0 = arith.muli %arg0, %mul3A : i32
    %add3A = arith.constant 10 : i32
    %add3A_1 = arith.addi %mul3A_0, %add3A : i32
    %get3A = arith.index_cast %add3A_1 : i32 to index
    %get3A_2 = memref.load %arg1[%get3A] : memref<1424xi32, #tpu.memory_space<smem>>
    %c0_i32 = arith.constant 0 : i32
    %c0_i32_3 = arith.constant 0 : i32
    %c0_i32_4 = arith.constant 0 : i32
    return %get3A_2, %c0_i32, %c0_i32_3 : i32, i32, i32
  }
  func.func @transform_11(%arg0: i32, %arg1: memref<1424xi32, #tpu.memory_space<smem>>) -> (i32, i32, i32) {
    %mul3A = arith.constant 16 : i32
    %mul3A_0 = arith.muli %arg0, %mul3A : i32
    %add3A = arith.constant 11 : i32
    %add3A_1 = arith.addi %mul3A_0, %add3A : i32
    %get3A = arith.index_cast %add3A_1 : i32 to index
    %get3A_2 = memref.load %arg1[%get3A] : memref<1424xi32, #tpu.memory_space<smem>>
    %c0_i32 = arith.constant 0 : i32
    %c0_i32_3 = arith.constant 0 : i32
    %c0_i32_4 = arith.constant 0 : i32
    return %get3A_2, %c0_i32, %c0_i32_3 : i32, i32, i32
  }
  func.func @transform_12(%arg0: i32, %arg1: memref<1424xi32, #tpu.memory_space<smem>>) -> (i32, i32, i32) {
    %mul3A = arith.constant 16 : i32
    %mul3A_0 = arith.muli %arg0, %mul3A : i32
    %add3A = arith.constant 12 : i32
    %add3A_1 = arith.addi %mul3A_0, %add3A : i32
    %get3A = arith.index_cast %add3A_1 : i32 to index
    %get3A_2 = memref.load %arg1[%get3A] : memref<1424xi32, #tpu.memory_space<smem>>
    %c0_i32 = arith.constant 0 : i32
    %c0_i32_3 = arith.constant 0 : i32
    %c0_i32_4 = arith.constant 0 : i32
    return %get3A_2, %c0_i32, %c0_i32_3 : i32, i32, i32
  }
  func.func @transform_13(%arg0: i32, %arg1: memref<1424xi32, #tpu.memory_space<smem>>) -> (i32, i32, i32) {
    %mul3A = arith.constant 16 : i32
    %mul3A_0 = arith.muli %arg0, %mul3A : i32
    %add3A = arith.constant 13 : i32
    %add3A_1 = arith.addi %mul3A_0, %add3A : i32
    %get3A = arith.index_cast %add3A_1 : i32 to index
    %get3A_2 = memref.load %arg1[%get3A] : memref<1424xi32, #tpu.memory_space<smem>>
    %c0_i32 = arith.constant 0 : i32
    %c0_i32_3 = arith.constant 0 : i32
    %c0_i32_4 = arith.constant 0 : i32
    return %get3A_2, %c0_i32, %c0_i32_3 : i32, i32, i32
  }
  func.func @transform_14(%arg0: i32, %arg1: memref<1424xi32, #tpu.memory_space<smem>>) -> (i32, i32, i32) {
    %mul3A = arith.constant 16 : i32
    %mul3A_0 = arith.muli %arg0, %mul3A : i32
    %add3A = arith.constant 14 : i32
    %add3A_1 = arith.addi %mul3A_0, %add3A : i32
    %get3A = arith.index_cast %add3A_1 : i32 to index
    %get3A_2 = memref.load %arg1[%get3A] : memref<1424xi32, #tpu.memory_space<smem>>
    %c0_i32 = arith.constant 0 : i32
    %c0_i32_3 = arith.constant 0 : i32
    %c0_i32_4 = arith.constant 0 : i32
    return %get3A_2, %c0_i32, %c0_i32_3 : i32, i32, i32
  }
  func.func @transform_15(%arg0: i32, %arg1: memref<1424xi32, #tpu.memory_space<smem>>) -> (i32, i32, i32) {
    %mul3A = arith.constant 16 : i32
    %mul3A_0 = arith.muli %arg0, %mul3A : i32
    %add3A = arith.constant 15 : i32
    %add3A_1 = arith.addi %mul3A_0, %add3A : i32
    %get3A = arith.index_cast %add3A_1 : i32 to index
    %get3A_2 = memref.load %arg1[%get3A] : memref<1424xi32, #tpu.memory_space<smem>>
    %c0_i32 = arith.constant 0 : i32
    %c0_i32_3 = arith.constant 0 : i32
    %c0_i32_4 = arith.constant 0 : i32
    return %get3A_2, %c0_i32, %c0_i32_3 : i32, i32, i32
  }
  func.func @transform_16(%arg0: i32, %arg1: memref<1424xi32, #tpu.memory_space<smem>>) -> (i32, i32) {
    %c0_i32 = arith.constant 0 : i32
    %c0_i32_0 = arith.constant 0 : i32
    %c0_i32_1 = arith.constant 0 : i32
    return %c0_i32, %c0_i32_0 : i32, i32
  }
  func.func @transform_17(%arg0: i32, %arg1: memref<1424xi32, #tpu.memory_space<smem>>) -> (i32, i32) {
    %c0_i32 = arith.constant 0 : i32
    %c0_i32_0 = arith.constant 0 : i32
    %c0_i32_1 = arith.constant 0 : i32
    return %c0_i32, %c0_i32_0 : i32, i32
  }
  func.func @transform_18(%arg0: i32, %arg1: memref<1424xi32, #tpu.memory_space<smem>>) -> (i32, i32) {
    %c0_i32 = arith.constant 0 : i32
    %c0_i32_0 = arith.constant 0 : i32
    %c0_i32_1 = arith.constant 0 : i32
    return %c0_i32, %c0_i32_0 : i32, i32
  }
  func.func @transform_19(%arg0: i32, %arg1: memref<1424xi32, #tpu.memory_space<smem>>) -> (i32, i32) {
    %c0_i32 = arith.constant 0 : i32
    %c0_i32_0 = arith.constant 0 : i32
    %c0_i32_1 = arith.constant 0 : i32
    return %c0_i32, %c0_i32_0 : i32, i32
  }
  func.func @transform_20(%arg0: i32, %arg1: memref<1424xi32, #tpu.memory_space<smem>>) -> (i32, i32) {
    %c0_i32 = arith.constant 0 : i32
    %c0_i32_0 = arith.constant 0 : i32
    %c0_i32_1 = arith.constant 0 : i32
    return %c0_i32, %c0_i32_0 : i32, i32
  }
  func.func @transform_21(%arg0: i32, %arg1: memref<1424xi32, #tpu.memory_space<smem>>) -> (i32, i32) {
    %c0_i32 = arith.constant 0 : i32
    %c0_i32_0 = arith.constant 0 : i32
    %c0_i32_1 = arith.constant 0 : i32
    return %c0_i32, %c0_i32_0 : i32, i32
  }
  func.func @transform_22(%arg0: i32, %arg1: memref<1424xi32, #tpu.memory_space<smem>>) -> (i32, i32) {
    %c0_i32 = arith.constant 0 : i32
    %c0_i32_0 = arith.constant 0 : i32
    %c0_i32_1 = arith.constant 0 : i32
    return %c0_i32, %c0_i32_0 : i32, i32
  }
  func.func @transform_23(%arg0: i32, %arg1: memref<1424xi32, #tpu.memory_space<smem>>) -> (i32, i32) {
    %c0_i32 = arith.constant 0 : i32
    %c0_i32_0 = arith.constant 0 : i32
    %c0_i32_1 = arith.constant 0 : i32
    return %c0_i32, %c0_i32_0 : i32, i32
  }
  func.func @transform_24(%arg0: i32, %arg1: memref<1424xi32, #tpu.memory_space<smem>>) -> (i32, i32) {
    %c0_i32 = arith.constant 0 : i32
    %c0_i32_0 = arith.constant 0 : i32
    return %arg0, %c0_i32 : i32, i32
  }
}

module attributes {stable_mosaic.version = 14 : i64} {
  func.func @_scatter_body(%arg0: i32, %arg1: memref<1424xi32, #tpu.memory_space<smem>>, %arg2: memref<64x96xf32, #tpu.memory_space<vmem>>, %arg3: memref<4704x64x96xf32, #tpu.memory_space<any>>, %arg4: memref<1x64x96xf32, #tpu.memory_space<vmem>>) attributes {dimension_semantics = [#tpu.dimension_semantics<arbitrary>], iteration_bounds = array<i64: 1410>, scalar_prefetch = 1 : i64, scratch_operands = 0 : i64, tpu.core_type = #tpu.core_type<tc>, window_params = [{transform_indices = @transform_0, window_bounds = array<i64: 64, 96>}, {}, {transform_indices = @transform_2, window_bounds = array<i64: 1, 64, 96>}]} {
    %get3A = arith.constant 0 : index
    %get3A_0 = arith.constant 0 : index
    %get3A_1 = vector.load %arg2[%get3A, %get3A_0] : memref<64x96xf32, #tpu.memory_space<vmem>>, vector<64x96xf32>
    %reshape3A = vector.shape_cast %get3A_1 : vector<64x96xf32> to vector<1x64x96xf32>
    %swap3A = arith.constant 0 : index
    %swap3A_2 = arith.constant 0 : index
    %swap3A_3 = arith.constant 0 : index
    %swap3A_4 = vector.load %arg4[%swap3A, %swap3A_2, %swap3A_3] : memref<1x64x96xf32, #tpu.memory_space<vmem>>, vector<1x64x96xf32>
    tpu.vector_store %arg4[%swap3A, %swap3A_2, %swap3A_3], %reshape3A {strides = array<i32>} : memref<1x64x96xf32, #tpu.memory_space<vmem>>, vector<1x64x96xf32>,
    return
  }
  func.func @transform_0(%arg0: i32, %arg1: memref<1424xi32, #tpu.memory_space<smem>>) -> (i32, i32) {
    %c0_i32 = arith.constant 0 : i32
    %c0_i32_0 = arith.constant 0 : i32
    return %arg0, %c0_i32 : i32, i32
  }
  func.func @transform_2(%arg0: i32, %arg1: memref<1424xi32, #tpu.memory_space<smem>>) -> (i32, i32, i32) {
    %get3A = arith.index_cast %arg0 : i32 to index
    %get3A_0 = memref.load %arg1[%get3A] : memref<1424xi32, #tpu.memory_space<smem>>
    %c0_i32 = arith.constant 0 : i32
    %c0_i32_1 = arith.constant 0 : i32
    %c0_i32_2 = arith.constant 0 : i32
    return %get3A_0, %c0_i32, %c0_i32_1 : i32, i32, i32
  }
}

</mosaic_0001>

<sc_bundles>
// kernel: sparse-core-data-format-call.1.cloned.1.call-start
scs
called_computation.1_lowered:
.L_overlay_start_0:
0x0: {  	s1 =	sld [smem:$0x3FD9]  }
0x1: {  	s2 =	sld [smem:$0x3FFE];
	_ =	sdelay $0x1  }
0x2: {  	s3 =	srdreg.scid  }
0x3: {  	s0 =	sand.u32 $0x1, s3  }
0x4: {  	s17 =	sshll.u32 s0, $0xA;
	s1 =	sadd.s32 s2, s1  }
0x5: {  	s1 =	sadd.s32 s1, s17  }
0x6: {  	[smem:$0x3FAA] =	sst s1  }
0x7: {  	_ = 	snop  }
0x8: {  	(tm) =	ssettm $0x1  }
0x9: {  	s18 =	sld [smem:$0x3FFB];
	_ =	sdelay $0x3  }
0xa: {  	_ =	strace s18  }
0xb: {  	s1 =	sld [smem:$0x3FFC];
	_ =	sdelay $0x3  }
0xc: {  	_ =	strace s1  }
0xd: {  	s1 =	sld [smem:$0x3FFD];
	_ =	sdelay $0x3  }
0xe: {  	_ =	strace s1  }
0xf: {  	_ =	strace $0x8FFFFFFF  }
0x10: {  	s19 =	sld [smem:$0x3FDB];
	_ =	sdelay $0x1  }
0x11: {  	s20 =	simm.s32 $_scs_section_size  }
0x12: {  	s4 =	simm.s32 $_size__tile_overlayer_lowered;
	s5 =	simm.s32 $_tile_overlayer_lowered  }
0x13: {  	s23 =	simm.s32 $0x1BFF;
	s22 =	sshll.u32 s5, $0x1;
	s1 =	sadd.s32 s20, s19  }
0x14: {  	s6 =	simm.s32 $0x0;
	s21 =	sshll.u32 s4, $0x1;
	s4 =	sadd.s32 s22, s1  }
0x15: {  	[timem:s6], [sflag:s23] =	dma.local [hbm:s4], s21  }
0x16: {  	_ =	swait.ge [sflag:s23], s21  }
0x17: {  	s2 =	ssub.s32 $0x0, s21;
	[sflag:s23] =	ssyncset.done $0x0  }
0x18: {  	[sflag:s23] =	ssyncadd.s32 s2;
	_ =	sdelay $0x1  }
0x19: {  	s24 =	simm.s32 $0x1B8B  }
0x1a: {  	_ =	swait.ge [sflag:s24], $0x1  }
0x1b: {  	[sflag:s24] =	ssyncset.done $0x0  }
0x1c: {  	s26 =	simm.s32 $0x1B8E;
	s25 =	sld [smem:$0x3FFE];
	[sflag:s24] =	ssyncadd.s32 $0xFFFFFFFF  }
0x1d: {  	s27 =	simm.s32 $execute0_lowered;
	[smem:$0x3FD2] =	sst s26  }
0x1e: {  	s4 =	sshll.u32 s27, $0x1;
	_ =	strace $0x8000004C;
	[dreg:$0x1] =	wrdreg $0xFFFFFFFF  }
0x1f: {  	s28 =	simm.s32 $_size_execute0_lowered;
	s1 =	sadd.s32 s1, s4;
	[dreg:$0x0] =	wrdreg $0x0  }
0x20: {  	s4 =	sshll.u32 s28, $0x1;
	[dreg:$0x2] =	wrdreg s1  }
0x21: {  	[dreg:$0x3] =	wrdreg s4  }
0x22: {  	[dreg:$0x4] =	wrdreg $0xC0  }
0x23: {  	_ =	task [dreg:s6], $0x5FFFF  }
0x24: {  	[dreg:$0x1] =	wrdreg $0xFFFFFFFF  }
0x25: {  	[dreg:$0x0] =	wrdreg $0x60  }
0x26: {  	[dreg:$0x2] =	wrdreg s25  }
0x27: {  	[dreg:$0x3] =	wrdreg $0x9  }
0x28: {  	_ =	task.clear_ibuf [dreg:s6], $0x4FFFF;
	_ =	strace $0x9000004C  }
0x29: {  	s29 =	simm.s32 $0x9;
	_ =	strace $0x8000004E  }
0x2a: {  	_ =	swait.ge [sflag:s29], $0x1  }
0x2b: {  	[sflag:s29] =	ssyncadd.s32 $0xFFFFFFFF  }
0x2c: {  	_ =	strace $0x9000004E  }
0x2d: {  	_ =	sfence  }
0x2e: {  	s30 =	sld [smem:$0x0];
	_ =	sdelay $0x2  }
0x2f: {  	s31 =	sshll.u32 s3, $0xD;
	s3 =	sshrl.u32 s3, $0x2  }
0x30: {  	s2 =	sand.u32 $0x4000, s31;
	s1 =	sadd.s32 s3, s30  }
0x31: {  	s0 =	sor.u32 s2, s0;
	s1 =	sshll.u32 s1, $0x11  }
0x32: {  	s0 =	sor.u32 s1, s0  }
0x33: {  	s0 =	sadd.s32 $0x8F2B, s0  }
0x34: {  	[sflag:s0] =	ssyncadd.remote.s32 $0x1  }
0x35: {  	_ =	sfence.sel $0xFFFF  }
0x36: {  	[dreg:$0x0] =	wrdreg $0xFFFFFFFF;
	(pc) =	sbr.abs _section_cstart, $3  }
0x37: {  	[dreg:$0x1] =	wrdreg $0xFFFFFFFF  }
0x38: {  	_ =	task.clear_ibuf [dreg:s6], $0x2FFFF;
	_ =	strace $0x9FFFFFFF  }
0x39: {  	(tm) =	ssettm $0x7FFFFFFF  }
tec
execute0_lowered:
.L_overlay_start_1:
0x0: {  	(tag) =	ssettag $0x1  }
0x1: {  	s0 =	srdreg.scid  }
0x2: {  	s7 =	rddreg [dreg:$0x0];
	s1 =	sshll.u32 s0, $0x4  }
0x3: {  	s8 =	simm.s32 $0x2;
	s0 =	stileid.u32;
	s1 =	sand.u32 $0x10, s1  }
0x4: {  	s15 =	simm.s32 $0x0;
	s2 =	sand.u32 $0x1, s0;
	s1 =	sor.u32 s0, s1  }
0x5: {  	p0 =	por $0x0, $0x0;
	s31 =	ssub.s32 $0x2, s2;
	s3 =	sshrl.u32 s1, $0x1  }
0x6: {  	s4 =	sshrl.u32 s31, $0x1;
	s1 =	sand.u32 $0x1, s31;
	s5 =	ssub.s32 $0x40, s3  }
0x7: {  	s9 =	simm.s32 $0x400;
	s4 =	sadd.s32 s1, s4;
	s5 =	sshrl.u32 s5, $0x4  }
0x8: {  	s10 =	simm.s32 $0xC400;
	s16 =	simm.s32 $0x0;
	s5 =	smul.u32 s5, s4  }
.Ltmp0:
0x9: {  	s17 =	simm.s32 $0x0;
	s12 =	simm.s32 $0x0;
	(pc) =	sbr.rel .LBB1_1-.Ltmp0, $4  }
0xa: {  	s14 =	simm.s32 $0x0;
	s6 =	sadd.s32 $0x2000, s7;
	s1 =	rddreg [dreg:$0x1]  }
0xb: {  	_ =	strace $0x8000004D;
	s4 =	simm.s32 $0x1;
	s5 =	smul.u32 $0x18, s5  }
0xc: {  	s7 =	sadd.s32 $0x49A000, s7;
	s13 =	smov.u32 s2;
	[sflag:s4] =	ssyncpa.u1 $0x0  }
0xd: {  	s11 =	smov.u32 s3;
	[sflag:s8] =	ssyncpa.u1 $0x0;
	s8 =	sor.u32 $0x1, s5  }
.LBB1_9:
0xe: {  	s18 =	sadd.s32 $0x10, s11  }
0xf: {  	s15 =	sadd.s32 $0x2, s12;
	s19 =	smov.u32 s12;
	p2 =	sgt.s32 s18, $0x30  }
0x10: {  	s19 =	smov.u32 @p2 s15  }
0x11: {  	s21 =	smov.u32 s13;
	s15 =	sadd.s32 $0x2, s13;
	p3 =	sgt.s32 s19, $0x2F  }
0x12: {  	s21 =	smov.u32 @p3 s15  }
0x13: {  	s18 =	smov.u32 @p2 s3;
	p2 =	sgt.s32 s21, $0x1  }
0x14: {  	p1 =	slt.u32 s14, $0x2;
	s21 =	smov.u32 @p2 s2;
	p2 =	sne.s32 s14, s8  }
.Ltmp1:
0x15: {  	s20 =	simm.s32 @!p1 $0x2;
	(pc) =	sbr.rel @!p2 .LBB1_10-.Ltmp1, $4  }
0x16: {  	s16 =	smov.u32 s12;
	s17 =	smov.u32 s13;
	_ =	swait.ge @!p1 [sflag:s20], $0x4000  }
0x17: {  	p0 =	por !p0, !p0;
	[sflag:s20] =	ssyncset.done @!p1 $0x0;
	s19 =	simm.s32 @p3 $0x0  }
0x18: {  	s15 =	smov.u32 s11;
	[sflag:s20] =	ssyncadd.s32 @!p1 $0xFFFFC000;
	s11 =	smov.u32 s18  }
0x19: {  	s12 =	smov.u32 s19;
	s14 =	sadd.s32 $0x1, s14;
	s13 =	smov.u32 s21  }
.LBB1_1:
0x1a: {  	p1 =	sge.u32 s14, s5  }
0x1b: {  	s18 =	smul.u32 @!p1 $0x24C000, s13  }
0x1c: {  	s19 =	sxor.u32 @!p1 $0xFFFFFFFF, s14;
	s20 =	smul.u32 @!p1 $0xC400, s12  }
0x1d: {  	s31 =	sadd.s32 $0xFFFFFFFF, s14;
	s19 =	sshll.u32 @!p1 s19, $0xE;
	s18 =	sadd.s32 @!p1 s6, s18  }
0x1e: {  	s21 =	sshll.u32 @!p1 s11, $0xA;
	s19 =	sand.u32 @!p1 $0x4000, s19;
	s18 =	sadd.s32 @!p1 s20, s18  }
0x1f: {  	s20 =	simm.s32 @!p1 $0x2000;
	s18 =	sadd.s32 @!p1 s21, s18;
	s21 =	simm.s32 @!p1 $0x62000  }
0x20: {  	[tilespmem:s19], [sflag:$0x1] =	stream.strided.gather @!p1 [hbm4b:s18+s20], $0x4000, s21, s20, $0x38;
	[tilespmem:$0x10000] =	vst v63  }
0x21: {  	p1 =	sge.u32 s31, s5  }
.Ltmp2:
0x22: {  	_ = 	snop;
	(pc) =	sbr.rel @p1 .LBB1_9-.Ltmp2, $1  }
0x23: {  	_ =	sdelay $0x3  }
0x24: {  	s18 =	simm.s32 $0x1;
	_ =	swait.ge [sflag:s4], $0x4000  }
0x25: {  	s19 =	sshll.u32 s14, $0xE;
	s21 =	simm.s32 $0x0;
	s18 =	simm.s32 @!p0 $0x0  }
0x26: {  	p2 =	por $0x1, $0x1;
	[sflag:s4] =	ssyncset.done $0x0;
	s18 =	sshll.u32 s18, $0x10  }
0x27: {  	s19 =	sand.u32 $0x4000, s19;
	[sflag:s4] =	ssyncadd.s32 $0xFFFFC000;
	s20 =	sshrl.u32 s18, $0x2  }
0x28: {  	s18 =	sor.u32 $0x8000, s19;
	s19 =	sadd.s32 $0x8040, s20;
	s20 =	sadd.s32 $0x40, s20  }
.LBB1_3:
0x29: {  	s21 =	sshll.u32 s21, $0x2  }
0x2a: {  	p1 =	por p2, p2;
	s22 =	sshra.s32 s21, $0x2  }
0x2b: {  	s23 =	simm.s32 $0x0;
	s21 =	sadd.s32 s22, s19;
	s22 =	sadd.s32 s22, s20  }
.LBB1_4:
0x2c: {  	v1 =	vmov s22;
	_ =	sdelay $0x3  }
0x2d: {  	s24 =	simm.s32 $0x0  }
0x2e: {  	v7 =	vld.idx.msk [tilespmem:v1+s24+$0x30 ss:$0x1], $0xffff  }
0x2f: {  	v0 =	vmov s21;
	v8 =	vld.idx.msk [tilespmem:v1+s24+$0xFFFFFFC0 ss:$0x1], $0xffff  }
0x30: {  	v6 =	vld.idx.msk [tilespmem:v1+s24+$0xFFFFFFD0 ss:$0x1], $0xffff  }
0x31: {  	v5 =	vld.idx.msk [tilespmem:v1+s24+$0xFFFFFFE0 ss:$0x1], $0xffff  }
0x32: {  	v4 =	vld.idx.msk [tilespmem:v1+s24+$0xFFFFFFF0 ss:$0x1], $0xffff  }
0x33: {  	v2 =	vld.idx.msk [tilespmem:v1+s24+$0x0 ss:$0x1], $0xffff  }
0x34: {  	v3 =	vld.idx.msk [tilespmem:v1+s24+$0x10 ss:$0x1], $0xffff;
	[tilespmem:v0+s24+$0x30 ss:$0x1] =	vst.idx.msk $0xffff, v7  }
0x35: {  	s25 =	simm.s32 $0x80;
	s26 =	simm.s32 $0x400;
	[tilespmem:v0+s24+$0xFFFFFFC0 ss:$0x1] =	vst.idx.msk $0xffff, v8;
	v7 =	vld.idx.msk [tilespmem:v1+s24+$0x20 ss:$0x1], $0xffff  }
.LBB1_5:
0x36: {  	p2 =	sne.s32 s26, $0xE00;
	v8 =	vld.idx.msk [tilespmem:v1+s25+$0x30 ss:$0x1], $0xffff;
	[tilespmem:v0+s24+$0xFFFFFFD0 ss:$0x1] =	vst.idx.msk $0xffff, v6  }
0x37: {  	v9 =	vld.idx.msk [tilespmem:v1+s25+$0xFFFFFFC0 ss:$0x1], $0xffff;
	[tilespmem:v0+s24+$0xFFFFFFE0 ss:$0x1] =	vst.idx.msk $0xffff, v5  }
0x38: {  	v6 =	vld.idx.msk [tilespmem:v1+s25+$0xFFFFFFD0 ss:$0x1], $0xffff;
	[tilespmem:v0+s24+$0xFFFFFFF0 ss:$0x1] =	vst.idx.msk $0xffff, v4  }
.Ltmp3:
0x39: {  	v5 =	vld.idx.msk [tilespmem:v1+s25+$0xFFFFFFE0 ss:$0x1], $0xffff;
	[tilespmem:v0+s24+$0x0 ss:$0x1] =	vst.idx.msk $0xffff, v2;
	(pc) =	sbr.rel @p2 .LBB1_5-.Ltmp3, $4  }
0x3a: {  	v4 =	vld.idx.msk [tilespmem:v1+s25+$0xFFFFFFF0 ss:$0x1], $0xffff;
	[tilespmem:v0+s24+$0x10 ss:$0x1] =	vst.idx.msk $0xffff, v3  }
0x3b: {  	v2 =	vld.idx.msk [tilespmem:v1+s25+$0x0 ss:$0x1], $0xffff;
	[tilespmem:v0+s24+$0x20 ss:$0x1] =	vst.idx.msk $0xffff, v7;
	s24 =	smov.u32 s25  }
0x3c: {  	v3 =	vld.idx.msk [tilespmem:v1+s24+$0x10 ss:$0x1], $0xffff;
	[tilespmem:v0+s24+$0x30 ss:$0x1] =	vst.idx.msk $0xffff, v8  }
0x3d: {  	s25 =	sshra.s32 s26, $0x2;
	s26 =	sadd.s32 $0x200, s26;
	[tilespmem:v0+s24+$0xFFFFFFC0 ss:$0x1] =	vst.idx.msk $0xffff, v9;
	v7 =	vld.idx.msk [tilespmem:v1+s24+$0x20 ss:$0x1], $0xffff  }
0x3e: {  	_ =	sdelay $0x3  }
0x3f: {  	[tilespmem:v0+s24+$0xFFFFFFD0 ss:$0x1] =	vst.idx.msk $0xffff, v6  }
0x40: {  	v56 =	vld.idx.msk [tilespmem:v1+s25+$0x30 ss:$0x1], $0xffff;
	[tilespmem:v0+s24+$0xFFFFFFE0 ss:$0x1] =	vst.idx.msk $0xffff, v5  }
0x41: {  	v57 =	vld.idx.msk [tilespmem:v1+s25+$0xFFFFFFC0 ss:$0x1], $0xffff;
	[tilespmem:v0+s24+$0xFFFFFFF0 ss:$0x1] =	vst.idx.msk $0xffff, v4  }
0x42: {  	v58 =	vld.idx.msk [tilespmem:v1+s25+$0xFFFFFFD0 ss:$0x1], $0xffff;
	[tilespmem:v0+s24+$0x0 ss:$0x1] =	vst.idx.msk $0xffff, v2  }
0x43: {  	v59 =	vld.idx.msk [tilespmem:v1+s25+$0xFFFFFFE0 ss:$0x1], $0xffff;
	[tilespmem:v0+s24+$0x10 ss:$0x1] =	vst.idx.msk $0xffff, v3  }
0x44: {  	v60 =	vld.idx.msk [tilespmem:v1+s25+$0xFFFFFFF0 ss:$0x1], $0xffff;
	[tilespmem:v0+s24+$0x20 ss:$0x1] =	vst.idx.msk $0xffff, v7  }
0x45: {  	v61 =	vld.idx.msk [tilespmem:v1+s25+$0x0 ss:$0x1], $0xffff;
	[tilespmem:v0+s25+$0x30 ss:$0x1] =	vst.idx.msk $0xffff, v56  }
0x46: {  	v62 =	vld.idx.msk [tilespmem:v1+s25+$0x10 ss:$0x1], $0xffff;
	s23 =	sadd.s32 $0x1, s23;
	[tilespmem:v0+s25+$0xFFFFFFC0 ss:$0x1] =	vst.idx.msk $0xffff, v57  }
0x47: {  	v63 =	vld.idx.msk [tilespmem:v1+s25+$0x20 ss:$0x1], $0xffff;
	p2 =	sne.s32 s23, $0x8;
	[tilespmem:v0+s25+$0xFFFFFFD0 ss:$0x1] =	vst.idx.msk $0xffff, v58  }
.Ltmp4:
0x48: {  	[tilespmem:v0+s25+$0xFFFFFFE0 ss:$0x1] =	vst.idx.msk $0xffff, v59;
	(pc) =	sbr.rel @p2 .LBB1_4-.Ltmp4, $4  }
0x49: {  	[tilespmem:v0+s25+$0xFFFFFFF0 ss:$0x1] =	vst.idx.msk $0xffff, v60  }
0x4a: {  	[tilespmem:v0+s25+$0x0 ss:$0x1] =	vst.idx.msk $0xffff, v61  }
0x4b: {  	[tilespmem:v0+s25+$0x10 ss:$0x1] =	vst.idx.msk $0xffff, v62  }
0x4c: {  	s21 =	sadd.s32 $0x400, s21;
	s22 =	sadd.s32 $0x400, s22;
	[tilespmem:v0+s25+$0x20 ss:$0x1] =	vst.idx.msk $0xffff, v63  }
.Ltmp5:
0x4d: {  	(pc) =	sbr.rel @p1 .LBB1_3-.Ltmp5, $2  }
0x4e: {  	_ =	sdelay $0x2  }
0x4f: {  	s21 =	simm.s32 $0x2000;
	p2 =	por $0x0, $0x0  }
0x50: {  	s17 =	smul.u32 $0x24C000, s17  }
0x51: {  	s16 =	smul.u32 $0xC400, s16  }
.Ltmp6:
0x52: {  	_ = 	snop;
	(pc) =	sbr.rel .LBB1_9-.Ltmp6, $4  }
0x53: {  	s17 =	sadd.s32 s7, s17  }
0x54: {  	s15 =	sshll.u32 s15, $0x7;
	s16 =	sadd.s32 s16, s17  }
0x55: {  	s15 =	sadd.s32 s15, s16  }
0x56: {  	[hbm4b:s15+s9] =	stream.strided.scatter [tilespmem:s18], [sflag:$0x2], $0x4000, s10, s9, $0x38;
	[tilespmem:$0x10000] =	vst v63  }
.LBB1_10:
0x57: {  	_ =	sfence.sel $0x180000  }
0x58: {  	s2 =	simm.s32 $0x1;
	[bflag:$0x0] =	sbarrier.arrive $0xFFFF  }
0x59: {  	s31 =	simm.s32 $0x2;
	[sflag:s2] =	ssyncpa.u1 $0x1  }
0x5a: {  	[sflag:s31] =	ssyncpa.u1 $0x1  }
0x5b: {  	p0 =	sne.s32 s0, $0x0;
	_ =	strace $0x9000004D  }
0x5c: {  	s0 =	sadd.s32 @!p0 $0x100000, s1;
	[bflag:$0x2] =	sbarrier.arrive $0xFFFF  }
0x5d: {  	[sflag:s0] =	ssyncadd.tile.s32 @!p0 $0x1;
	_ =	shalt  }
.Lfunc_end1:
_tile_overlayer_lowered:
.L_overlay_start_2:
0x5e: {  	(tag) =	ssettag $0x2  }
0x5f: {  	s0 =	rddreg [dreg:$0x0];
	s2 =	stileid.u32  }
0x60: {  	s1 =	rddreg [dreg:$0x1];
	p0 =	sne.s32 s2, $0x0  }
0x61: {  	s3 =	rddreg [dreg:$0x2];
	[bflag:$0x3] =	sbarrier.arrive $0xFFFF;
	s2 =	simm.s32 @!p0 $0x1C01  }
0x62: {  	[timem:s3], [sflag:s2] =	dma.local @!p0 [hbm:s0], s1  }
0x63: {  	s0 =	simm.s32 @!p0 $0x1  }
0x64: {  	_ =	swait.ge @!p0 [sflag:s0], s1  }
0x65: {  	s1 =	ssub.s32 @!p0 $0x0, s1;
	[sflag:s0] =	ssyncset.done @!p0 $0x0  }
0x66: {  	[sflag:s0] =	ssyncadd.s32 @!p0 s1  }
0x67: {  	[bflag:$0x3] =	sbarrier.arrive $0xFFFF  }
0x68: {  	_ =	shalt  }

// kernel: sparse-core-data-format-call.2.cloned.1.call-start
scs
called_computation.2_lowered:
.L_overlay_start_0:
0x0: {  	s1 =	sld [smem:$0x3FD9]  }
0x1: {  	s2 =	sld [smem:$0x3FFE];
	_ =	sdelay $0x1  }
0x2: {  	s3 =	srdreg.scid  }
0x3: {  	s0 =	sand.u32 $0x1, s3  }
0x4: {  	s17 =	sshll.u32 s0, $0xA;
	s1 =	sadd.s32 s2, s1  }
0x5: {  	s1 =	sadd.s32 s1, s17  }
0x6: {  	[smem:$0x3FAA] =	sst s1  }
0x7: {  	_ = 	snop  }
0x8: {  	(tm) =	ssettm $0x1  }
0x9: {  	s18 =	sld [smem:$0x3FFB];
	_ =	sdelay $0x3  }
0xa: {  	_ =	strace s18  }
0xb: {  	s1 =	sld [smem:$0x3FFC];
	_ =	sdelay $0x3  }
0xc: {  	_ =	strace s1  }
0xd: {  	s1 =	sld [smem:$0x3FFD];
	_ =	sdelay $0x3  }
0xe: {  	_ =	strace s1  }
0xf: {  	_ =	strace $0x8FFFFFFF  }
0x10: {  	s19 =	sld [smem:$0x3FDB];
	_ =	sdelay $0x1  }
0x11: {  	s20 =	simm.s32 $_scs_section_size  }
0x12: {  	s4 =	simm.s32 $_size__tile_overlayer_lowered;
	s5 =	simm.s32 $_tile_overlayer_lowered  }
0x13: {  	s23 =	simm.s32 $0x1BFF;
	s22 =	sshll.u32 s5, $0x1;
	s1 =	sadd.s32 s20, s19  }
0x14: {  	s6 =	simm.s32 $0x0;
	s21 =	sshll.u32 s4, $0x1;
	s4 =	sadd.s32 s22, s1  }
0x15: {  	[timem:s6], [sflag:s23] =	dma.local [hbm:s4], s21  }
0x16: {  	_ =	swait.ge [sflag:s23], s21  }
0x17: {  	s2 =	ssub.s32 $0x0, s21;
	[sflag:s23] =	ssyncset.done $0x0  }
0x18: {  	[sflag:s23] =	ssyncadd.s32 s2;
	_ =	sdelay $0x1  }
0x19: {  	s24 =	simm.s32 $0x1B8B  }
0x1a: {  	_ =	swait.ge [sflag:s24], $0x1  }
0x1b: {  	[sflag:s24] =	ssyncset.done $0x0  }
0x1c: {  	s26 =	simm.s32 $0x1B8E;
	s25 =	sld [smem:$0x3FFE];
	[sflag:s24] =	ssyncadd.s32 $0xFFFFFFFF  }
0x1d: {  	s27 =	simm.s32 $execute0_lowered;
	[smem:$0x3FD2] =	sst s26  }
0x1e: {  	s4 =	sshll.u32 s27, $0x1;
	_ =	strace $0x80000049;
	[dreg:$0x1] =	wrdreg $0xFFFFFFFF  }
0x1f: {  	s28 =	simm.s32 $_size_execute0_lowered;
	s1 =	sadd.s32 s1, s4;
	[dreg:$0x0] =	wrdreg $0x0  }
0x20: {  	s4 =	sshll.u32 s28, $0x1;
	[dreg:$0x2] =	wrdreg s1  }
0x21: {  	[dreg:$0x3] =	wrdreg s4  }
0x22: {  	[dreg:$0x4] =	wrdreg $0xC0  }
0x23: {  	_ =	task [dreg:s6], $0x5FFFF  }
0x24: {  	[dreg:$0x1] =	wrdreg $0xFFFFFFFF  }
0x25: {  	[dreg:$0x0] =	wrdreg $0x60  }
0x26: {  	[dreg:$0x2] =	wrdreg s25  }
0x27: {  	[dreg:$0x3] =	wrdreg $0x9  }
0x28: {  	_ =	task.clear_ibuf [dreg:s6], $0x4FFFF;
	_ =	strace $0x90000049  }
0x29: {  	s29 =	simm.s32 $0x9;
	_ =	strace $0x8000004B  }
0x2a: {  	_ =	swait.ge [sflag:s29], $0x1  }
0x2b: {  	[sflag:s29] =	ssyncadd.s32 $0xFFFFFFFF  }
0x2c: {  	_ =	strace $0x9000004B  }
0x2d: {  	_ =	sfence  }
0x2e: {  	s30 =	sld [smem:$0x0];
	_ =	sdelay $0x2  }
0x2f: {  	s31 =	sshll.u32 s3, $0xD;
	s3 =	sshrl.u32 s3, $0x2  }
0x30: {  	s2 =	sand.u32 $0x4000, s31;
	s1 =	sadd.s32 s3, s30  }
0x31: {  	s0 =	sor.u32 s2, s0;
	s1 =	sshll.u32 s1, $0x11  }
0x32: {  	s0 =	sor.u32 s1, s0  }
0x33: {  	s0 =	sadd.s32 $0x8F2B, s0  }
0x34: {  	[sflag:s0] =	ssyncadd.remote.s32 $0x1  }
0x35: {  	_ =	sfence.sel $0xFFFF  }
0x36: {  	[dreg:$0x0] =	wrdreg $0xFFFFFFFF;
	(pc) =	sbr.abs _section_cstart, $3  }
0x37: {  	[dreg:$0x1] =	wrdreg $0xFFFFFFFF  }
0x38: {  	_ =	task.clear_ibuf [dreg:s6], $0x2FFFF;
	_ =	strace $0x9FFFFFFF  }
0x39: {  	(tm) =	ssettm $0x7FFFFFFF  }
tec
execute0_lowered:
.L_overlay_start_1:
0x0: {  	(tag) =	ssettag $0x1  }
0x1: {  	s0 =	srdreg.scid  }
0x2: {  	s6 =	rddreg [dreg:$0x0];
	s3 =	simm.s32 $0x1;
	s7 =	simm.s32 $0x2  }
0x3: {  	s14 =	simm.s32 $0x0;
	s8 =	simm.s32 $0x2000;
	s1 =	sshll.u32 s0, $0x4  }
0x4: {  	s9 =	simm.s32 $0x1260000;
	s0 =	stileid.u32;
	s1 =	sand.u32 $0x10, s1  }
0x5: {  	s15 =	simm.s32 $0x0;
	s16 =	simm.s32 $0x0;
	s2 =	sor.u32 s0, s1  }
.Ltmp0:
0x6: {  	s11 =	simm.s32 $0x0;
	s4 =	ssub.s32 $0x50, s2;
	(pc) =	sbr.rel .LBB1_1-.Ltmp0, $4  }
0x7: {  	s12 =	simm.s32 $0x0;
	s13 =	simm.s32 $0x0;
	s4 =	sshrl.u32 s4, $0x5  }
0x8: {  	s1 =	rddreg [dreg:$0x1];
	_ =	strace $0x8000004A;
	s4 =	smul.u32 $0x30, s4  }
0x9: {  	s5 =	sadd.s32 $0x90E800, s6;
	s6 =	sadd.s32 $0x2000, s6;
	[sflag:s3] =	ssyncpa.u1 $0x0  }
0xa: {  	s10 =	smov.u32 s2;
	[sflag:s7] =	ssyncpa.u1 $0x0;
	s7 =	sor.u32 $0x1, s4  }
.LBB1_9:
0xb: {  	s17 =	sadd.s32 $0x20, s10  }
0xc: {  	s14 =	sadd.s32 $0x8, s11;
	s18 =	smov.u32 s11;
	p1 =	sgt.s32 s17, $0x30  }
0xd: {  	s18 =	smov.u32 @p1 s14  }
0xe: {  	s14 =	simm.s32 $0x1;
	p2 =	sgt.s32 s18, $0x7  }
0xf: {  	s14 =	simm.s32 @!p2 $0x0  }
0x10: {  	s20 =	sadd.s32 s14, s12  }
0x11: {  	s17 =	smov.u32 @p1 s2;
	p1 =	sgt.s32 s20, $0x2F  }
0x12: {  	p0 =	slt.u32 s13, $0x2;
	s20 =	simm.s32 @p1 $0x0;
	p1 =	sne.s32 s13, s7  }
.Ltmp1:
0x13: {  	s19 =	simm.s32 @!p0 $0x2;
	(pc) =	sbr.rel @!p1 .LBB1_10-.Ltmp1, $4  }
0x14: {  	s15 =	smov.u32 s11;
	_ =	swait.ge @!p0 [sflag:s19], $0x4000  }
0x15: {  	s16 =	smov.u32 s12;
	[sflag:s19] =	ssyncset.done @!p0 $0x0;
	s18 =	simm.s32 @p2 $0x0  }
0x16: {  	[sflag:s19] =	ssyncadd.s32 @!p0 $0xFFFFC000;
	s14 =	smov.u32 s10;
	s10 =	smov.u32 s17  }
0x17: {  	s11 =	smov.u32 s18;
	s13 =	sadd.s32 $0x1, s13;
	s12 =	smov.u32 s20  }
.LBB1_1:
0x18: {  	p0 =	sge.u32 s13, s4  }
0x19: {  	s17 =	smul.u32 @!p0 $0x18800, s12  }
0x1a: {  	s18 =	sxor.u32 @!p0 $0xFFFFFFFF, s13;
	s19 =	smul.u32 @!p0 $0x3100, s11  }
0x1b: {  	s31 =	sadd.s32 $0xFFFFFFFF, s13;
	s18 =	sshll.u32 @!p0 s18, $0xE;
	s17 =	sadd.s32 @!p0 s5, s17  }
0x1c: {  	s20 =	sshll.u32 @!p0 s10, $0x8;
	s18 =	sand.u32 @!p0 $0x4000, s18;
	s17 =	sadd.s32 @!p0 s19, s17  }
0x1d: {  	s19 =	simm.s32 @!p0 $0x800;
	s17 =	sadd.s32 @!p0 s20, s17;
	s20 =	simm.s32 @!p0 $0x18800  }
0x1e: {  	[tilespmem:s18], [sflag:$0x1] =	stream.strided.gather @!p0 [hbm4b:s17+s19], $0x4000, s20, s19, $0x38;
	[tilespmem:$0x10000] =	vst v63  }
0x1f: {  	p0 =	sge.u32 s31, s4  }
.Ltmp2:
0x20: {  	_ = 	snop;
	(pc) =	sbr.rel @p0 .LBB1_9-.Ltmp2, $1  }
0x21: {  	_ =	sdelay $0x3  }
0x22: {  	_ =	swait.ge [sflag:s3], $0x4000;
	s17 =	sshll.u32 s13, $0xE  }
0x23: {  	[sflag:s3] =	ssyncset.done $0x0;
	s18 =	sand.u32 $0x4000, s17  }
0x24: {  	s19 =	simm.s32 $0x0;
	[sflag:s3] =	ssyncadd.s32 $0xFFFFC000;
	s17 =	sor.u32 $0x8000, s18  }
.LBB1_3:
0x25: {  	s20 =	sshll.u32 s19, $0xB;
	s21 =	sshll.u32 s19, $0xA  }
0x26: {  	s20 =	sand.u32 $0x3FFFF800, s20;
	s21 =	sand.u32 $0x3FFFFC00, s21  }
0x27: {  	s22 =	simm.s32 $0x0;
	s20 =	sadd.s32 s20, s18;
	s21 =	sadd.s32 s21, s17  }
.LBB1_4:
0x28: {  	s23 =	sshll.u32 s22, $0x8  }
0x29: {  	s23 =	sand.u32 $0x3FFFFF00, s23  }
0x2a: {  	s24 =	sshll.u32 s22, $0x7;
	s25 =	sadd.s32 s23, s20  }
0x2b: {  	s24 =	sand.u32 $0x3FFFFF80, s24;
	v0 =	vmov s25  }
0x2c: {  	s24 =	sadd.s32 s24, s21  }
0x2d: {  	p0 =	por $0x1, $0x1;
	s23 =	simm.s32 $0x0;
	v1 =	vmov s24  }
.LBB1_5:
0x2e: {  	s24 =	sshll.u32 s23, $0x7  }
0x2f: {  	s24 =	sand.u32 $0x3FFFFF80, s24  }
0x30: {  	v2 =	vld.idx.msk [tilespmem:v0+s24+$0x0 ss:$0x1], $0xffff  }
0x31: {  	v3 =	vld.idx.msk [tilespmem:v0+s24+$0x10 ss:$0x1], $0xffff  }
0x32: {  	v4 =	vld.idx.msk [tilespmem:v0+s24+$0x20 ss:$0x1], $0xffff  }
0x33: {  	s31 =	sshll.u32 s23, $0xD;
	v5 =	vld.idx.msk [tilespmem:v0+s24+$0x30 ss:$0x1], $0xffff  }
0x34: {  	s23 =	sand.u32 $0x3FFFE000, s31;
	v6 =	vld.idx.msk [tilespmem:v0+s24+$0x40 ss:$0x1], $0xffff  }
0x35: {  	v63 =	vld.idx.msk [tilespmem:v0+s24+$0x70 ss:$0x1], $0xffff;
	[tilespmem:v1+s23+$0x0 ss:$0x1] =	vst.idx.msk $0xffff, v2  }
0x36: {  	v2 =	vld.idx.msk [tilespmem:v0+s24+$0x50 ss:$0x1], $0xffff;
	[tilespmem:v1+s23+$0x10 ss:$0x1] =	vst.idx.msk $0xffff, v3  }
0x37: {  	p1 =	por p0, p0;
	v3 =	vld.idx.msk [tilespmem:v0+s24+$0x60 ss:$0x1], $0xffff;
	[tilespmem:v1+s23+$0x20 ss:$0x1] =	vst.idx.msk $0xffff, v4  }
.Ltmp3:
0x38: {  	[tilespmem:v1+s23+$0x30 ss:$0x1] =	vst.idx.msk $0xffff, v5;
	(pc) =	sbr.rel @p1 .LBB1_5-.Ltmp3, $4  }
0x39: {  	[tilespmem:v1+s23+$0x40 ss:$0x1] =	vst.idx.msk $0xffff, v6  }
0x3a: {  	[tilespmem:v1+s23+$0x70 ss:$0x1] =	vst.idx.msk $0xffff, v63  }
0x3b: {  	[tilespmem:v1+s23+$0x50 ss:$0x1] =	vst.idx.msk $0xffff, v2  }
0x3c: {  	p0 =	por $0x0, $0x0;
	[tilespmem:v1+s23+$0x60 ss:$0x1] =	vst.idx.msk $0xffff, v3;
	s23 =	simm.s32 $0x1  }
0x3d: {  	s22 =	sadd.s32 $0x1, s22  }
0x3e: {  	p0 =	sne.s32 s22, $0x8  }
.Ltmp4:
0x3f: {  	_ = 	snop;
	(pc) =	sbr.rel @p0 .LBB1_4-.Ltmp4, $1  }
0x40: {  	_ =	sdelay $0x3  }
0x41: {  	s19 =	sadd.s32 $0x1, s19  }
0x42: {  	p0 =	sne.s32 s19, $0x8  }
.Ltmp5:
0x43: {  	_ = 	snop;
	(pc) =	sbr.rel @p0 .LBB1_3-.Ltmp5, $1  }
0x44: {  	_ =	sdelay $0x3  }
0x45: {  	s16 =	smul.u32 $0xC400, s16  }
.Ltmp6:
0x46: {  	_ = 	snop;
	(pc) =	sbr.rel .LBB1_9-.Ltmp6, $4  }
0x47: {  	s15 =	sshll.u32 s15, $0x7;
	s16 =	sadd.s32 s6, s16  }
0x48: {  	s14 =	sshll.u32 s14, $0xA;
	s15 =	sadd.s32 s15, s16  }
0x49: {  	s14 =	sadd.s32 s14, s15  }
0x4a: {  	[hbm4b:s14+s8] =	stream.strided.scatter [tilespmem:s17], [sflag:$0x2], $0x4000, s9, s8, $0x38;
	[tilespmem:$0x10000] =	vst v63  }
.LBB1_10:
0x4b: {  	_ =	sfence.sel $0x180000  }
0x4c: {  	s2 =	simm.s32 $0x1;
	[bflag:$0x0] =	sbarrier.arrive $0xFFFF  }
0x4d: {  	s31 =	simm.s32 $0x2;
	[sflag:s2] =	ssyncpa.u1 $0x1  }
0x4e: {  	[sflag:s31] =	ssyncpa.u1 $0x1  }
0x4f: {  	p0 =	sne.s32 s0, $0x0;
	_ =	strace $0x9000004A  }
0x50: {  	s0 =	sadd.s32 @!p0 $0x100000, s1;
	[bflag:$0x2] =	sbarrier.arrive $0xFFFF  }
0x51: {  	[sflag:s0] =	ssyncadd.tile.s32 @!p0 $0x1;
	_ =	shalt  }
.Lfunc_end1:
_tile_overlayer_lowered:
.L_overlay_start_2:
0x52: {  	(tag) =	ssettag $0x2  }
0x53: {  	s0 =	rddreg [dreg:$0x0];
	s2 =	stileid.u32  }
0x54: {  	s1 =	rddreg [dreg:$0x1];
	p0 =	sne.s32 s2, $0x0  }
0x55: {  	s3 =	rddreg [dreg:$0x2];
	[bflag:$0x3] =	sbarrier.arrive $0xFFFF;
	s2 =	simm.s32 @!p0 $0x1C01  }
0x56: {  	[timem:s3], [sflag:s2] =	dma.local @!p0 [hbm:s0], s1  }
0x57: {  	s0 =	simm.s32 @!p0 $0x1  }
0x58: {  	_ =	swait.ge @!p0 [sflag:s0], s1  }
0x59: {  	s1 =	ssub.s32 @!p0 $0x0, s1;
	[sflag:s0] =	ssyncset.done @!p0 $0x0  }
0x5a: {  	[sflag:s0] =	ssyncadd.s32 @!p0 s1  }
0x5b: {  	[bflag:$0x3] =	sbarrier.arrive $0xFFFF  }
0x5c: {  	_ =	shalt  }

// kernel: sparse-core-data-format-call.3.cloned.1.call-start
scs
called_computation.3_lowered:
.L_overlay_start_0:
0x0: {  	s1 =	sld [smem:$0x3FD9]  }
0x1: {  	s2 =	sld [smem:$0x3FFE];
	_ =	sdelay $0x1  }
0x2: {  	s3 =	srdreg.scid  }
0x3: {  	s0 =	sand.u32 $0x1, s3  }
0x4: {  	s17 =	sshll.u32 s0, $0xA;
	s1 =	sadd.s32 s2, s1  }
0x5: {  	s1 =	sadd.s32 s1, s17  }
0x6: {  	[smem:$0x3FAA] =	sst s1  }
0x7: {  	_ = 	snop  }
0x8: {  	(tm) =	ssettm $0x1  }
0x9: {  	s18 =	sld [smem:$0x3FFB];
	_ =	sdelay $0x3  }
0xa: {  	_ =	strace s18  }
0xb: {  	s1 =	sld [smem:$0x3FFC];
	_ =	sdelay $0x3  }
0xc: {  	_ =	strace s1  }
0xd: {  	s1 =	sld [smem:$0x3FFD];
	_ =	sdelay $0x3  }
0xe: {  	_ =	strace s1  }
0xf: {  	_ =	strace $0x8FFFFFFF  }
0x10: {  	s19 =	sld [smem:$0x3FDB];
	_ =	sdelay $0x1  }
0x11: {  	s20 =	simm.s32 $_scs_section_size  }
0x12: {  	s4 =	simm.s32 $_size__tile_overlayer_lowered;
	s5 =	simm.s32 $_tile_overlayer_lowered  }
0x13: {  	s23 =	simm.s32 $0x1BFF;
	s22 =	sshll.u32 s5, $0x1;
	s1 =	sadd.s32 s20, s19  }
0x14: {  	s6 =	simm.s32 $0x0;
	s21 =	sshll.u32 s4, $0x1;
	s4 =	sadd.s32 s22, s1  }
0x15: {  	[timem:s6], [sflag:s23] =	dma.local [hbm:s4], s21  }
0x16: {  	_ =	swait.ge [sflag:s23], s21  }
0x17: {  	s2 =	ssub.s32 $0x0, s21;
	[sflag:s23] =	ssyncset.done $0x0  }
0x18: {  	[sflag:s23] =	ssyncadd.s32 s2;
	_ =	sdelay $0x1  }
0x19: {  	s24 =	simm.s32 $0x1B8B  }
0x1a: {  	_ =	swait.ge [sflag:s24], $0x1  }
0x1b: {  	[sflag:s24] =	ssyncset.done $0x0  }
0x1c: {  	s26 =	simm.s32 $0x1B8E;
	s25 =	sld [smem:$0x3FFE];
	[sflag:s24] =	ssyncadd.s32 $0xFFFFFFFF  }
0x1d: {  	s27 =	simm.s32 $execute0_lowered;
	[smem:$0x3FD2] =	sst s26  }
0x1e: {  	s4 =	sshll.u32 s27, $0x1;
	_ =	strace $0x80000046;
	[dreg:$0x1] =	wrdreg $0xFFFFFFFF  }
0x1f: {  	s28 =	simm.s32 $_size_execute0_lowered;
	s1 =	sadd.s32 s1, s4;
	[dreg:$0x0] =	wrdreg $0x0  }
0x20: {  	s4 =	sshll.u32 s28, $0x1;
	[dreg:$0x2] =	wrdreg s1  }
0x21: {  	[dreg:$0x3] =	wrdreg s4  }
0x22: {  	[dreg:$0x4] =	wrdreg $0xC0  }
0x23: {  	_ =	task [dreg:s6], $0x5FFFF  }
0x24: {  	[dreg:$0x1] =	wrdreg $0xFFFFFFFF  }
0x25: {  	[dreg:$0x0] =	wrdreg $0x60  }
0x26: {  	[dreg:$0x2] =	wrdreg s25  }
0x27: {  	[dreg:$0x3] =	wrdreg $0x9  }
0x28: {  	_ =	task.clear_ibuf [dreg:s6], $0x4FFFF;
	_ =	strace $0x90000046  }
0x29: {  	s29 =	simm.s32 $0x9;
	_ =	strace $0x80000048  }
0x2a: {  	_ =	swait.ge [sflag:s29], $0x1  }
0x2b: {  	[sflag:s29] =	ssyncadd.s32 $0xFFFFFFFF  }
0x2c: {  	_ =	strace $0x90000048  }
0x2d: {  	_ =	sfence  }
0x2e: {  	s30 =	sld [smem:$0x0];
	_ =	sdelay $0x2  }
0x2f: {  	s31 =	sshll.u32 s3, $0xD;
	s3 =	sshrl.u32 s3, $0x2  }
0x30: {  	s2 =	sand.u32 $0x4000, s31;
	s1 =	sadd.s32 s3, s30  }
0x31: {  	s0 =	sor.u32 s2, s0;
	s1 =	sshll.u32 s1, $0x11  }
0x32: {  	s0 =	sor.u32 s1, s0  }
0x33: {  	s0 =	sadd.s32 $0x8F2B, s0  }
0x34: {  	[sflag:s0] =	ssyncadd.remote.s32 $0x1  }
0x35: {  	_ =	sfence.sel $0xFFFF  }
0x36: {  	[dreg:$0x0] =	wrdreg $0xFFFFFFFF;
	(pc) =	sbr.abs _section_cstart, $3  }
0x37: {  	[dreg:$0x1] =	wrdreg $0xFFFFFFFF  }
0x38: {  	_ =	task.clear_ibuf [dreg:s6], $0x2FFFF;
	_ =	strace $0x9FFFFFFF  }
0x39: {  	(tm) =	ssettm $0x7FFFFFFF  }
tec
execute0_lowered:
.L_overlay_start_1:
0x0: {  	(tag) =	ssettag $0x1  }
0x1: {  	s1 =	srdreg.scid;
	s0 =	stileid.u32  }
0x2: {  	s7 =	rddreg [dreg:$0x0];
	s31 =	simm.s32 $0x2;
	s17 =	simm.s32 $0x0  }
0x3: {  	p0 =	por $0x0, $0x0;
	s10 =	simm.s32 $0x400;
	s11 =	simm.s32 $0x2000  }
0x4: {  	s16 =	simm.s32 $0x0;
	s2 =	sand.u32 $0x1, s1;
	s3 =	sand.u32 $0x1, s0  }
0x5: {  	s18 =	simm.s32 $0x0;
	s29 =	ssub.s32 $0x30, s3;
	s4 =	ssub.s32 $0x2, s2  }
0x6: {  	s5 =	sshrl.u32 s29, $0x1;
	s1 =	sand.u32 $0x1, s29;
	s6 =	sshrl.u32 s4, $0x1  }
0x7: {  	s19 =	simm.s32 $0x0;
	s5 =	sadd.s32 s1, s5;
	s4 =	ssub.s32 s4, s6  }
0x8: {  	s12 =	simm.s32 $0x0;
	s30 =	sshll.u32 s2, $0x4;
	s8 =	smul.u32 s4, s5  }
.Ltmp0:
0x9: {  	s15 =	simm.s32 $0x0;
	s9 =	sadd.s32 s30, s7;
	(pc) =	sbr.rel .LBB1_1-.Ltmp0, $4  }
0xa: {  	s1 =	rddreg [dreg:$0x1];
	_ =	strace $0x80000047;
	s4 =	sadd.s32 $0x482000, s7  }
0xb: {  	s5 =	simm.s32 $0x1;
	s7 =	sshrl.u32 s0, $0x1;
	s6 =	smul.u32 $0x3, s8  }
0xc: {  	s14 =	smov.u32 s3;
	[sflag:s5] =	ssyncpa.u1 $0x0;
	s13 =	smov.u32 s7  }
0xd: {  	[sflag:s31] =	ssyncpa.u1 $0x0;
	s8 =	sadd.s32 $0x2000, s9;
	s9 =	sadd.s32 $0x1, s6  }
.LBB1_7:
0xe: {  	s20 =	sadd.s32 $0x10, s12  }
0xf: {  	s16 =	sadd.s32 $0x8, s13;
	s21 =	smov.u32 s13;
	p2 =	sgt.s32 s20, $0x2F  }
0x10: {  	s21 =	smov.u32 @p2 s16  }
0x11: {  	s22 =	smov.u32 s14;
	s16 =	sadd.s32 $0x2, s14;
	p3 =	sgt.s32 s21, $0x7  }
0x12: {  	s22 =	smov.u32 @p3 s16  }
0x13: {  	s20 =	simm.s32 @p2 $0x0;
	p2 =	sgt.s32 s22, $0x2F  }
0x14: {  	p1 =	slt.u32 s15, $0x2;
	s22 =	smov.u32 @p2 s3;
	p2 =	sne.s32 s15, s9  }
.Ltmp1:
0x15: {  	s18 =	smov.u32 s13;
	s17 =	simm.s32 @!p1 $0x2;
	(pc) =	sbr.rel @!p2 .LBB1_8-.Ltmp1, $4  }
0x16: {  	s19 =	smov.u32 s14;
	p0 =	por !p0, !p0;
	_ =	swait.ge @!p1 [sflag:s17], $0x4000  }
0x17: {  	[sflag:s17] =	ssyncset.done @!p1 $0x0;
	s21 =	smov.u32 @p3 s7;
	s16 =	smov.u32 s12  }
0x18: {  	[sflag:s17] =	ssyncadd.s32 @!p1 $0xFFFFC000;
	s17 =	smov.u32 s2;
	s12 =	smov.u32 s20  }
0x19: {  	s13 =	smov.u32 s21;
	s15 =	sadd.s32 $0x1, s15;
	s14 =	smov.u32 s22  }
.LBB1_1:
0x1a: {  	p1 =	sge.u32 s15, s6  }
0x1b: {  	s20 =	smul.u32 @!p1 $0x18000, s14  }
0x1c: {  	s21 =	sxor.u32 @!p1 $0xFFFFFFFF, s15;
	s22 =	smul.u32 @!p1 $0x3000, s13  }
0x1d: {  	s31 =	sadd.s32 $0xFFFFFFFF, s15;
	s21 =	sshll.u32 @!p1 s21, $0xE;
	s20 =	sadd.s32 @!p1 s20, s8  }
0x1e: {  	s23 =	sshll.u32 @!p1 s12, $0x8;
	s21 =	sand.u32 @!p1 $0x4000, s21;
	s20 =	sadd.s32 @!p1 s22, s20  }
0x1f: {  	s22 =	simm.s32 @!p1 $0x80;
	s20 =	sadd.s32 @!p1 s23, s20;
	s23 =	simm.s32 @!p1 $0x100  }
0x20: {  	[tilespmem:s21], [sflag:$0x1] =	stream.strided.gather @!p1 [hbm4b:s20+s22], $0x4000, s23, s22, $0x38;
	[tilespmem:$0x10000] =	vst v63  }
0x21: {  	p1 =	sge.u32 s31, s6  }
.Ltmp2:
0x22: {  	_ = 	snop;
	(pc) =	sbr.rel @p1 .LBB1_7-.Ltmp2, $1  }
0x23: {  	_ =	sdelay $0x3  }
0x24: {  	s20 =	simm.s32 $0x1;
	_ =	swait.ge [sflag:s5], $0x4000;
	s23 =	sshll.u32 s15, $0xE  }
0x25: {  	s20 =	simm.s32 @!p0 $0x0;
	[sflag:s5] =	ssyncset.done $0x0;
	s31 =	sand.u32 $0x4000, s23  }
0x26: {  	s23 =	simm.s32 $0x0;
	s20 =	sshll.u32 s20, $0xE;
	[sflag:s5] =	ssyncadd.s32 $0xFFFFC000  }
0x27: {  	s21 =	sor.u32 $0x70, s20;
	s22 =	sor.u32 $0x8040, s20;
	s20 =	sor.u32 $0x8000, s31  }
.LBB1_3:
0x28: {  	v1 =	vmov s21;
	_ =	sdelay $0x3  }
0x29: {  	s24 =	simm.s32 $0x0  }
0x2a: {  	v7 =	vld.idx.msk [tilespmem:v1+s24+$0x0 ss:$0x1], $0xffff  }
0x2b: {  	v0 =	vmov s22;
	v8 =	vld.idx.msk [tilespmem:v1+s24+$0xFFFFFF90 ss:$0x1], $0xffff  }
0x2c: {  	v6 =	vld.idx.msk [tilespmem:v1+s24+$0xFFFFFFA0 ss:$0x1], $0xffff  }
0x2d: {  	v5 =	vld.idx.msk [tilespmem:v1+s24+$0xFFFFFFB0 ss:$0x1], $0xffff  }
0x2e: {  	v4 =	vld.idx.msk [tilespmem:v1+s24+$0xFFFFFFC0 ss:$0x1], $0xffff  }
0x2f: {  	v2 =	vld.idx.msk [tilespmem:v1+s24+$0xFFFFFFD0 ss:$0x1], $0xffff  }
0x30: {  	v3 =	vld.idx.msk [tilespmem:v1+s24+$0xFFFFFFE0 ss:$0x1], $0xffff;
	[tilespmem:v0+s24+$0x30 ss:$0x1] =	vst.idx.msk $0xffff, v7  }
0x31: {  	s25 =	simm.s32 $0x80;
	s26 =	simm.s32 $0x400;
	[tilespmem:v0+s24+$0xFFFFFFC0 ss:$0x1] =	vst.idx.msk $0xffff, v8;
	v7 =	vld.idx.msk [tilespmem:v1+s24+$0xFFFFFFF0 ss:$0x1], $0xffff  }
.LBB1_4:
0x32: {  	p1 =	sne.s32 s26, $0xE00;
	v8 =	vld.idx.msk [tilespmem:v1+s25+$0x0 ss:$0x1], $0xffff;
	[tilespmem:v0+s24+$0xFFFFFFD0 ss:$0x1] =	vst.idx.msk $0xffff, v6  }
0x33: {  	v9 =	vld.idx.msk [tilespmem:v1+s25+$0xFFFFFF90 ss:$0x1], $0xffff;
	[tilespmem:v0+s24+$0xFFFFFFE0 ss:$0x1] =	vst.idx.msk $0xffff, v5  }
0x34: {  	v6 =	vld.idx.msk [tilespmem:v1+s25+$0xFFFFFFA0 ss:$0x1], $0xffff;
	[tilespmem:v0+s24+$0xFFFFFFF0 ss:$0x1] =	vst.idx.msk $0xffff, v4  }
.Ltmp3:
0x35: {  	v5 =	vld.idx.msk [tilespmem:v1+s25+$0xFFFFFFB0 ss:$0x1], $0xffff;
	[tilespmem:v0+s24+$0x0 ss:$0x1] =	vst.idx.msk $0xffff, v2;
	(pc) =	sbr.rel @p1 .LBB1_4-.Ltmp3, $4  }
0x36: {  	v4 =	vld.idx.msk [tilespmem:v1+s25+$0xFFFFFFC0 ss:$0x1], $0xffff;
	[tilespmem:v0+s24+$0x10 ss:$0x1] =	vst.idx.msk $0xffff, v3  }
0x37: {  	v2 =	vld.idx.msk [tilespmem:v1+s25+$0xFFFFFFD0 ss:$0x1], $0xffff;
	[tilespmem:v0+s24+$0x20 ss:$0x1] =	vst.idx.msk $0xffff, v7;
	s24 =	smov.u32 s25  }
0x38: {  	v3 =	vld.idx.msk [tilespmem:v1+s24+$0xFFFFFFE0 ss:$0x1], $0xffff;
	[tilespmem:v0+s24+$0x30 ss:$0x1] =	vst.idx.msk $0xffff, v8  }
0x39: {  	s25 =	sshra.s32 s26, $0x2;
	s26 =	sadd.s32 $0x200, s26;
	[tilespmem:v0+s24+$0xFFFFFFC0 ss:$0x1] =	vst.idx.msk $0xffff, v9;
	v7 =	vld.idx.msk [tilespmem:v1+s24+$0xFFFFFFF0 ss:$0x1], $0xffff  }
0x3a: {  	_ =	sdelay $0x3  }
0x3b: {  	[tilespmem:v0+s24+$0xFFFFFFD0 ss:$0x1] =	vst.idx.msk $0xffff, v6  }
0x3c: {  	v56 =	vld.idx.msk [tilespmem:v1+s25+$0x0 ss:$0x1], $0xffff;
	[tilespmem:v0+s24+$0xFFFFFFE0 ss:$0x1] =	vst.idx.msk $0xffff, v5  }
0x3d: {  	v57 =	vld.idx.msk [tilespmem:v1+s25+$0xFFFFFF90 ss:$0x1], $0xffff;
	[tilespmem:v0+s24+$0xFFFFFFF0 ss:$0x1] =	vst.idx.msk $0xffff, v4  }
0x3e: {  	v58 =	vld.idx.msk [tilespmem:v1+s25+$0xFFFFFFA0 ss:$0x1], $0xffff;
	[tilespmem:v0+s24+$0x0 ss:$0x1] =	vst.idx.msk $0xffff, v2  }
0x3f: {  	v59 =	vld.idx.msk [tilespmem:v1+s25+$0xFFFFFFB0 ss:$0x1], $0xffff;
	[tilespmem:v0+s24+$0x10 ss:$0x1] =	vst.idx.msk $0xffff, v3  }
0x40: {  	v60 =	vld.idx.msk [tilespmem:v1+s25+$0xFFFFFFC0 ss:$0x1], $0xffff;
	[tilespmem:v0+s24+$0x20 ss:$0x1] =	vst.idx.msk $0xffff, v7  }
0x41: {  	v61 =	vld.idx.msk [tilespmem:v1+s25+$0xFFFFFFD0 ss:$0x1], $0xffff;
	[tilespmem:v0+s25+$0x30 ss:$0x1] =	vst.idx.msk $0xffff, v56  }
0x42: {  	v62 =	vld.idx.msk [tilespmem:v1+s25+$0xFFFFFFE0 ss:$0x1], $0xffff;
	s23 =	sadd.s32 $0x1, s23;
	[tilespmem:v0+s25+$0xFFFFFFC0 ss:$0x1] =	vst.idx.msk $0xffff, v57  }
0x43: {  	v63 =	vld.idx.msk [tilespmem:v1+s25+$0xFFFFFFF0 ss:$0x1], $0xffff;
	p1 =	sne.s32 s23, $0x10;
	[tilespmem:v0+s25+$0xFFFFFFD0 ss:$0x1] =	vst.idx.msk $0xffff, v58  }
.Ltmp4:
0x44: {  	[tilespmem:v0+s25+$0xFFFFFFE0 ss:$0x1] =	vst.idx.msk $0xffff, v59;
	(pc) =	sbr.rel @p1 .LBB1_3-.Ltmp4, $4  }
0x45: {  	[tilespmem:v0+s25+$0xFFFFFFF0 ss:$0x1] =	vst.idx.msk $0xffff, v60  }
0x46: {  	[tilespmem:v0+s25+$0x0 ss:$0x1] =	vst.idx.msk $0xffff, v61  }
0x47: {  	[tilespmem:v0+s25+$0x10 ss:$0x1] =	vst.idx.msk $0xffff, v62  }
0x48: {  	s21 =	sadd.s32 $0x400, s21;
	s22 =	sadd.s32 $0x400, s22;
	[tilespmem:v0+s25+$0x20 ss:$0x1] =	vst.idx.msk $0xffff, v63  }
0x49: {  	s19 =	smul.u32 $0xC000, s19;
	_ =	sdelay $0x1  }
.Ltmp5:
0x4a: {  	s18 =	sshll.u32 s18, $0x7;
	s19 =	sadd.s32 s4, s19;
	(pc) =	sbr.rel .LBB1_7-.Ltmp5, $4  }
0x4b: {  	s17 =	smul.u32 $0x240000, s17;
	s16 =	sshll.u32 s16, $0xA;
	s18 =	sadd.s32 s18, s19  }
0x4c: {  	s16 =	sadd.s32 s16, s18  }
0x4d: {  	s16 =	sadd.s32 s17, s16  }
0x4e: {  	[hbm4b:s16+s10] =	stream.strided.scatter [tilespmem:s20], [sflag:$0x2], $0x4000, s11, s10, $0x38;
	[tilespmem:$0x10000] =	vst v63  }
.LBB1_8:
0x4f: {  	_ =	sfence.sel $0x180000  }
0x50: {  	s2 =	simm.s32 $0x1;
	[bflag:$0x0] =	sbarrier.arrive $0xFFFF  }
0x51: {  	s31 =	simm.s32 $0x2;
	[sflag:s2] =	ssyncpa.u1 $0x1  }
0x52: {  	[sflag:s31] =	ssyncpa.u1 $0x1  }
0x53: {  	p0 =	sne.s32 s0, $0x0;
	_ =	strace $0x90000047  }
0x54: {  	s0 =	sadd.s32 @!p0 $0x100000, s1;
	[bflag:$0x2] =	sbarrier.arrive $0xFFFF  }
0x55: {  	[sflag:s0] =	ssyncadd.tile.s32 @!p0 $0x1;
	_ =	shalt  }
.Lfunc_end1:
_tile_overlayer_lowered:
.L_overlay_start_2:
0x56: {  	(tag) =	ssettag $0x2  }
0x57: {  	s0 =	rddreg [dreg:$0x0];
	s2 =	stileid.u32  }
0x58: {  	s1 =	rddreg [dreg:$0x1];
	p0 =	sne.s32 s2, $0x0  }
0x59: {  	s3 =	rddreg [dreg:$0x2];
	[bflag:$0x3] =	sbarrier.arrive $0xFFFF;
	s2 =	simm.s32 @!p0 $0x1C01  }
0x5a: {  	[timem:s3], [sflag:s2] =	dma.local @!p0 [hbm:s0], s1  }
0x5b: {  	s0 =	simm.s32 @!p0 $0x1  }
0x5c: {  	_ =	swait.ge @!p0 [sflag:s0], s1  }
0x5d: {  	s1 =	ssub.s32 @!p0 $0x0, s1;
	[sflag:s0] =	ssyncset.done @!p0 $0x0  }
0x5e: {  	[sflag:s0] =	ssyncadd.s32 @!p0 s1  }
0x5f: {  	[bflag:$0x3] =	sbarrier.arrive $0xFFFF  }
0x60: {  	_ =	shalt  }

// kernel: sparse-core-data-format-call.cloned.1.call-start
scs
called_computation_lowered:
.L_overlay_start_0:
0x0: {  	s2 =	sld [smem:$0x3FD9]  }
0x1: {  	s3 =	sld [smem:$0x3FFE];
	_ =	sdelay $0x1  }
0x2: {  	s1 =	srdreg.scid  }
0x3: {  	s0 =	sand.u32 $0x1, s1  }
0x4: {  	s18 =	sshll.u32 s0, $0xA;
	s2 =	sadd.s32 s3, s2  }
0x5: {  	s2 =	sadd.s32 s2, s18  }
0x6: {  	[smem:$0x3FAA] =	sst s2  }
0x7: {  	_ = 	snop  }
0x8: {  	s2 =	sld [smem:$0x3FD0];
	(tm) =	ssettm $0x1  }
0x9: {  	s19 =	sld [smem:$0x3FFB];
	_ =	sdelay $0x3  }
0xa: {  	_ =	strace s19  }
0xb: {  	s3 =	sld [smem:$0x3FFC];
	_ =	sdelay $0x3  }
0xc: {  	_ =	strace s3  }
0xd: {  	s3 =	sld [smem:$0x3FFD];
	_ =	sdelay $0x3  }
0xe: {  	_ =	strace s3  }
0xf: {  	_ =	strace $0x8FFFFFFF  }
0x10: {  	s20 =	sld [smem:$0x3FDB];
	_ =	sdelay $0x1  }
0x11: {  	s4 =	simm.s32 $_scs_section_size  }
0x12: {  	s5 =	simm.s32 $_size__tile_overlayer_lowered;
	s6 =	simm.s32 $_tile_overlayer_lowered  }
0x13: {  	s23 =	simm.s32 $0x1BFF;
	s22 =	sshll.u32 s6, $0x1;
	s3 =	sadd.s32 s4, s20  }
0x14: {  	s7 =	simm.s32 $0x0;
	s21 =	sshll.u32 s5, $0x1;
	s5 =	sadd.s32 s22, s3  }
0x15: {  	[timem:s7], [sflag:s23] =	dma.local [hbm:s5], s21  }
0x16: {  	_ =	swait.ge [sflag:s23], s21  }
0x17: {  	s4 =	ssub.s32 $0x0, s21;
	[sflag:s23] =	ssyncset.done $0x0  }
0x18: {  	[sflag:s23] =	ssyncadd.s32 s4;
	_ =	sdelay $0x1  }
0x19: {  	s24 =	simm.s32 $0x1B8B  }
0x1a: {  	_ =	swait.ge [sflag:s24], $0x1  }
0x1b: {  	[sflag:s24] =	ssyncset.done $0x0  }
0x1c: {  	s26 =	simm.s32 $0x1B8E;
	s25 =	sld [smem:$0x3FFE];
	[sflag:s24] =	ssyncadd.s32 $0xFFFFFFFF  }
0x1d: {  	s27 =	simm.s32 $execute0_lowered;
	[smem:$0x3FD2] =	sst s26  }
0x1e: {  	s5 =	sshll.u32 s27, $0x1;
	_ =	strace $0x8000004F;
	[dreg:$0x1] =	wrdreg $0xFFFFFFFF  }
0x1f: {  	s28 =	simm.s32 $_size_execute0_lowered;
	s3 =	sadd.s32 s3, s5;
	[dreg:$0x0] =	wrdreg $0x0  }
0x20: {  	s5 =	sshll.u32 s28, $0x1;
	[dreg:$0x2] =	wrdreg s3  }
0x21: {  	[dreg:$0x3] =	wrdreg s5  }
0x22: {  	[dreg:$0x4] =	wrdreg $0xC0  }
0x23: {  	_ =	task [dreg:s7], $0x5FFFF  }
0x24: {  	[dreg:$0x1] =	wrdreg $0xFFFFFFFF  }
0x25: {  	[dreg:$0x0] =	wrdreg $0x60  }
0x26: {  	[dreg:$0x2] =	wrdreg s25  }
0x27: {  	[dreg:$0x3] =	wrdreg s2  }
0x28: {  	[dreg:$0x4] =	wrdreg $0x9  }
0x29: {  	_ =	task.clear_ibuf [dreg:s7], $0x5FFFF;
	_ =	strace $0x9000004F  }
0x2a: {  	s29 =	simm.s32 $0x9;
	_ =	strace $0x80000051  }
0x2b: {  	_ =	swait.ge [sflag:s29], $0x1  }
0x2c: {  	[sflag:s29] =	ssyncadd.s32 $0xFFFFFFFF  }
0x2d: {  	_ =	strace $0x90000051  }
0x2e: {  	_ =	sfence  }
0x2f: {  	s30 =	sld [smem:$0x0];
	_ =	sdelay $0x2  }
0x30: {  	s31 =	sshll.u32 s1, $0xD;
	s1 =	sshrl.u32 s1, $0x2  }
0x31: {  	s3 =	sand.u32 $0x4000, s31;
	s1 =	sadd.s32 s1, s30  }
0x32: {  	s0 =	sor.u32 s3, s0;
	s1 =	sshll.u32 s1, $0x11  }
0x33: {  	s0 =	sor.u32 s1, s0  }
0x34: {  	s0 =	sadd.s32 $0x8F2B, s0  }
0x35: {  	[sflag:s0] =	ssyncadd.remote.s32 $0x1  }
0x36: {  	_ =	sfence.sel $0xFFFF  }
0x37: {  	[dreg:$0x0] =	wrdreg $0xFFFFFFFF;
	(pc) =	sbr.abs _section_cstart, $3  }
0x38: {  	[dreg:$0x1] =	wrdreg $0xFFFFFFFF  }
0x39: {  	_ =	task.clear_ibuf [dreg:s7], $0x2FFFF;
	_ =	strace $0x9FFFFFFF  }
0x3a: {  	(tm) =	ssettm $0x7FFFFFFF  }
0x3b: {  	_ =	shalt  }
tec
execute0_lowered:
.L_overlay_start_1:
0x0: {  	(tag) =	ssettag $0x1  }
0x1: {  	s4 =	rddreg [dreg:$0x0]  }
0x2: {  	s2 =	rddreg [dreg:$0x1]  }
0x3: {  	s1 =	stileid.u32;
	s0 =	rddreg [dreg:$0x2];
	_ =	strace $0x80000050  }
0x4: {  	s5 =	srdreg.scid;
	s8 =	simm.s32 $0x2;
	s17 =	simm.s32 $0x0  }
0x5: {  	p0 =	por $0x0, $0x0;
	s9 =	simm.s32 $0x24000;
	s18 =	simm.s32 $0x0  }
0x6: {  	s19 =	simm.s32 $0x0;
	s10 =	simm.s32 $0x0;
	s11 =	simm.s32 $0x0  }
0x7: {  	s12 =	simm.s32 $0x0;
	s13 =	simm.s32 $0x0;
	s3 =	sand.u32 $0x1, s1  }
0x8: {  	s16 =	simm.s32 $0x0;
	s5 =	sshll.u32 s5, $0x4;
	s6 =	ssub.s32 $0x2, s3  }
.Ltmp0:
0x9: {  	s7 =	sshrl.u32 s6, $0x1;
	s6 =	sand.u32 $0x1, s6;
	(pc) =	sbr.rel .LBB1_1-.Ltmp0, $4  }
0xa: {  	s4 =	sadd.s32 $0x2000, s4;
	s5 =	sand.u32 $0x10, s5;
	s6 =	sadd.s32 s6, s7  }
0xb: {  	s31 =	sor.u32 s1, s5;
	s5 =	simm.s32 $0x1;
	s6 =	smul.u32 $0x48, s6  }
0xc: {  	s15 =	smov.u32 s3;
	s7 =	sshrl.u32 s31, $0x1;
	[sflag:s5] =	ssyncpa.u1 $0x0  }
0xd: {  	[sflag:s8] =	ssyncpa.u1 $0x0;
	s14 =	smov.u32 s7;
	s8 =	sor.u32 $0x1, s6  }
.LBB1_4:
0xe: {  	s25 =	sshrl.u32 s11, $0x3  }
0xf: {  	s26 =	sshll.u32 s10, $0x3;
	s27 =	sshll.u32 s11, $0x7;
	[tilespmem:s22+$0x2040 ss:$0x81] =	vst.msk $0xffff, v4;
	s25 =	smul.u32 $0xC00, s25  }
0x10: {  	s29 =	sand.u32 $0x7F, s10;
	s24 =	sshra.s32 s24, $0x2;
	[tilespmem:s22+$0x2850 ss:$0x81] =	vst.msk $0xffff, v3;
	s26 =	sand.u32 $0xFFFFFC00, s26  }
0x11: {  	p1 =	sgt.s32 s12, $0x1;
	[tilespmem:s22+$0x3060 ss:$0x81] =	vst.msk $0xffff, v2;
	s28 =	sand.u32 $0x380, s27;
	s25 =	sadd.s32 s25, s26  }
0x12: {  	[tilespmem:s22+$0x0 ss:$0x81] =	vst.msk $0xffff, v1;
	s22 =	sshra.s32 s10, $0x1F;
	s23 =	sadd.s32 s24, s23;
	s25 =	sor.u32 s28, s25  }
0x13: {  	s22 =	sand.u32 s22, s10;
	s28 =	sshra.s32 s12, $0x1F;
	s26 =	sor.u32 s29, s25  }
0x14: {  	s25 =	smulhi.u32 $0xAAAAAAAB, s25;
	s29 =	smov.u32 s12;
	s28 =	sand.u32 s28, s12  }
0x15: {  	s27 =	smulhi.u32 $0xAAAAAAAB, s26;
	s29 =	simm.s32 @!p1 $0x1;
	s30 =	sxor.u32 $0xFFFFFFFF, s28  }
0x16: {  	p1 =	sgt.s32 s11, $0x17F;
	s25 =	sshrl.u32 s25, $0x8;
	s24 =	sadd.s32 s30, s29  }
0x17: {  	s29 =	smov.u32 s11;
	s30 =	sshra.s32 s11, $0x1F;
	s27 =	sshrl.u32 s27, $0x8  }
0x18: {  	v5 =	vld [tilespmem:s21+$0xFFFFFFD0];
	s31 =	ssub.s32 $0x1, s24;
	s29 =	simm.s32 @!p1 $0x17F;
	s30 =	sand.u32 s30, s11  }
0x19: {  	v58 =	vld [tilespmem:s21+$0xFFFFFFE0];
	p1 =	sgt.s32 s24, $0x0;
	s28 =	smul.u32 $0x60, s31;
	s24 =	ssub.s32 s29, s30  }
0x1a: {  	v59 =	vld [tilespmem:s21+$0xFFFFFFF0];
	s31 =	smulhi.u32 $0xAAAAAB, s25;
	s30 =	smov.u32 s10;
	s29 =	sadd.s32 $0xFFFFFE81, s24  }
0x1b: {  	v60 =	vld [tilespmem:s21+$0x0];
	s24 =	ssub.s32 $0x180, s24;
	s28 =	simm.s32 @p1 $0x0;
	p1 =	sgt.s32 s10, $0x100  }
0x1c: {  	v61 =	vld [tilespmem:s21+$0x10];
	[tilespmem:s23+$0x3870 ss:$0x81] =	vst.msk $0xffff, v0;
	s31 =	smul.u32 $0x180, s31;
	s30 =	simm.s32 @!p1 $0x100;
	p1 =	sgt.s32 s29, $0x0  }
0x1d: {  	v62 =	vld [tilespmem:s21+$0x20];
	[tilespmem:s23+$0x810 ss:$0x81] =	vst.msk $0xffff, v5;
	s27 =	smul.u32 $0x180, s27;
	s22 =	ssub.s32 s30, s22;
	s24 =	simm.s32 @p1 $0x0  }
0x1e: {  	v63 =	vld [tilespmem:s21+$0xFFFFFFC0];
	[tilespmem:s23+$0x1020 ss:$0x81] =	vst.msk $0xffff, v58;
	s29 =	ssub.s32 s25, s31;
	s31 =	smul.u32 $0x1B0000, s12;
	s30 =	sadd.s32 $0xFFFFFF00, s22  }
0x1f: {  	[tilespmem:s23+$0x1830 ss:$0x81] =	vst.msk $0xffff, v59;
	s24 =	smul.u32 s28, s24;
	s22 =	ssub.s32 $0x180, s22;
	p1 =	sgt.s32 s30, $0x7F  }
0x20: {  	[tilespmem:s23+$0x2040 ss:$0x81] =	vst.msk $0xffff, v60;
	s26 =	ssub.s32 s26, s27;
	s21 =	smul.u32 $0x30, s29;
	s22 =	simm.s32 @p1 $0x0  }
0x21: {  	[tilespmem:s23+$0x2850 ss:$0x81] =	vst.msk $0xffff, v61;
	s29 =	sand.u32 $0x7, s26;
	s28 =	sadd.s32 s2, s31;
	s22 =	smul.u32 s22, s24  }
0x22: {  	[tilespmem:s23+$0x3060 ss:$0x81] =	vst.msk $0xffff, v62;
	s30 =	sshrl.u32 s26, $0x3;
	s25 =	sshll.u32 s29, $0x12;
	s21 =	sadd.s32 s21, s28  }
0x23: {  	[tilespmem:s23+$0x0 ss:$0x81] =	vst.msk $0xffff, v63;
	s31 =	sor.u32 $0x80, s25;
	s21 =	sadd.s32 s30, s21;
	s22 =	sand.u32 $0x3FFFFFE0, s22  }
0x24: {  	[hbm4b:s21+s31] =	stream.strided.scatter [tilespmem:s20], [sflag:$0x2], s22, s9, s31, $0x20;
	[tilespmem:$0x10100] =	vst v63  }
.LBB1_5:
0x25: {  	p1 =	slt.u32 s16, $0x2  }
0x26: {  	s20 =	smov.u32 s19;
	p2 =	sgt.s32 @!p1 s19, $0x1;
	s21 =	sshra.s32 @!p1 s19, $0x1F  }
0x27: {  	s22 =	sshra.s32 @!p1 s18, $0x1F;
	p3 =	sgt.s32 @!p1 s17, $0x100;
	p2 =	por !p2, p1  }
0x28: {  	s19 =	sand.u32 @!p1 s21, s19;
	s20 =	simm.s32 @p2 $0x1;
	p2 =	sgt.s32 @!p1 s18, $0x17F  }
0x29: {  	s21 =	smov.u32 s18;
	s19 =	sxor.u32 @!p1 $0xFFFFFFFF, s19;
	p2 =	por !p2, p1  }
0x2a: {  	s18 =	sand.u32 @!p1 s22, s18;
	s19 =	sadd.s32 @!p1 s19, s20;
	s21 =	simm.s32 @p2 $0x17F  }
0x2b: {  	p3 =	por !p3, p1;
	p2 =	sgt.s32 @!p1 s19, $0x0;
	s18 =	ssub.s32 @!p1 s21, s18  }
0x2c: {  	s19 =	ssub.s32 @!p1 $0x1, s19;
	s21 =	smov.u32 s17;
	s20 =	sadd.s32 @!p1 $0xFFFFFE81, s18  }
0x2d: {  	s21 =	simm.s32 @p3 $0x100;
	p3 =	sgt.s32 @!p1 s20, $0x0;
	s20 =	sshra.s32 @!p1 s17, $0x1F  }
0x2e: {  	s19 =	smul.u32 @!p1 $0x60, s19;
	p2 =	por !p2, p1;
	s17 =	sand.u32 @!p1 s20, s17  }
0x2f: {  	s18 =	ssub.s32 @!p1 $0x180, s18;
	p3 =	por !p3, p1;
	s17 =	ssub.s32 @!p1 s21, s17  }
0x30: {  	s19 =	simm.s32 @!p2 $0x0;
	s18 =	simm.s32 @!p3 $0x0;
	s20 =	sadd.s32 @!p1 $0xFFFFFF00, s17  }
0x31: {  	s21 =	smov.u32 s14;
	s18 =	smul.u32 @!p1 s19, s18;
	p2 =	sgt.s32 @!p1 s20, $0x7F  }
0x32: {  	s17 =	ssub.s32 @!p1 $0x180, s17;
	s20 =	sadd.s32 $0x80, s13;
	p2 =	por !p2, p1  }
0x33: {  	s19 =	sadd.s32 $0x10, s14;
	s17 =	simm.s32 @!p2 $0x0;
	p2 =	sgt.s32 s20, $0x17F  }
0x34: {  	s22 =	smov.u32 s15;
	s21 =	smov.u32 @p2 s19  }
0x35: {  	s17 =	smul.u32 @!p1 s17, s18;
	s18 =	sadd.s32 $0x2, s15;
	p3 =	sgt.s32 s21, $0x17F  }
0x36: {  	p0 =	por !p0, !p0;
	s23 =	simm.s32 @!p1 $0x2;
	s22 =	smov.u32 @p3 s18  }
0x37: {  	s20 =	simm.s32 @p2 $0x0;
	s19 =	smov.u32 s12;
	p2 =	sgt.s32 s22, $0x1  }
0x38: {  	s12 =	smov.u32 s15;
	s22 =	smov.u32 @p2 s3;
	p2 =	sne.s32 s16, s8  }
.Ltmp1:
0x39: {  	s17 =	sand.u32 @!p1 $0x3FFFFFE0, s17;
	s21 =	smov.u32 @p3 s7;
	(pc) =	sbr.rel @!p2 .LBB1_6-.Ltmp1, $4  }
0x3a: {  	s18 =	smov.u32 s11;
	s11 =	smov.u32 s14;
	_ =	swait.ge @!p1 [sflag:s23], s17  }
0x3b: {  	s24 =	ssub.s32 @!p1 $0x0, s17;
	s17 =	smov.u32 s10;
	s10 =	smov.u32 s13  }
0x3c: {  	s13 =	smov.u32 s20;
	s14 =	smov.u32 s21;
	[sflag:s23] =	ssyncset.done @!p1 $0x0  }
0x3d: {  	s16 =	sadd.s32 $0x1, s16;
	[sflag:s23] =	ssyncadd.s32 @!p1 s24;
	s15 =	smov.u32 s22  }
.LBB1_1:
0x3e: {  	p1 =	sge.u32 s16, s6  }
0x3f: {  	s20 =	sand.u32 @!p1 $0x1FFFFFF, s13  }
0x40: {  	s21 =	smulhi.u32 @!p1 $0xAAAAAB, s20  }
0x41: {  	s22 =	smul.u32 @!p1 $0x240000, s15  }
0x42: {  	s21 =	smul.u32 @!p1 $0x180, s21  }
0x43: {  	s31 =	sadd.s32 $0xFFFFFFFF, s16;
	s23 =	smul.u32 @!p1 $0x1800, s14  }
0x44: {  	s22 =	sadd.s32 @!p1 s4, s22;
	s20 =	ssub.s32 @!p1 s20, s21;
	s21 =	sxor.u32 @!p1 $0xFFFFFFFF, s16  }
0x45: {  	s22 =	sadd.s32 @!p1 s23, s22;
	s21 =	sshll.u32 @!p1 s21, $0xE;
	s20 =	sshll.u32 @!p1 s20, $0x4  }
0x46: {  	s21 =	sand.u32 @!p1 $0x4000, s21;
	s20 =	sadd.s32 @!p1 s20, s22;
	s22 =	simm.s32 @!p1 $0x0  }
0x47: {  	[tilespmem:s21], [sflag:$0x1] =	stream.linear.gather @!p1 [hbm4b:s20+s22], $0x4000, $0x38;
	[tilespmem:$0x10100] =	vst v63  }
0x48: {  	p1 =	sge.u32 s31, s6  }
.Ltmp2:
0x49: {  	_ = 	snop;
	(pc) =	sbr.rel @p1 .LBB1_5-.Ltmp2, $1  }
0x4a: {  	_ =	sdelay $0x3  }
0x4b: {  	s20 =	simm.s32 $0x1  }
0x4c: {  	_ =	swait.ge [sflag:s5], $0x4000;
	s20 =	simm.s32 @!p0 $0x0  }
0x4d: {  	[sflag:s5] =	ssyncset.done $0x0;
	s21 =	sshll.u32 s20, $0xE  }
0x4e: {  	[sflag:s5] =	ssyncadd.s32 $0xFFFFC000;
	s21 =	sor.u32 $0x40, s21  }
0x4f: {  	s20 =	smul.u32 $0x10200, s20;
	v0 =	vld [tilespmem:s21+$0x30]  }
0x50: {  	v1 =	vld [tilespmem:s21+$0xFFFFFFD0]  }
0x51: {  	s20 =	sshrl.u32 s20, $0x2;
	v5 =	vld [tilespmem:s21+$0xFFFFFFE0]  }
0x52: {  	v6 =	vld [tilespmem:s21+$0xFFFFFFF0];
	s23 =	sor.u32 $0x8000, s20  }
0x53: {  	s31 =	sand.u32 $0x1, s16;
	v4 =	vld [tilespmem:s21+$0x0];
	s22 =	sadd.s32 $0x0, s23  }
0x54: {  	v3 =	vld [tilespmem:s21+$0x10];
	s20 =	smul.u32 $0x10200, s31;
	[tilespmem:s22+$0x3870 ss:$0x81] =	vst.msk $0xffff, v0  }
0x55: {  	v2 =	vld [tilespmem:s21+$0x20];
	[tilespmem:s22+$0x810 ss:$0x81] =	vst.msk $0xffff, v1  }
0x56: {  	s20 =	sshrl.u32 s20, $0x2;
	v1 =	vld [tilespmem:s21+$0xFFFFFFC0];
	[tilespmem:s22+$0x1020 ss:$0x81] =	vst.msk $0xffff, v5;
	s21 =	sadd.s32 $0x80, s21  }
0x57: {  	s24 =	simm.s32 $0x4;
	s25 =	simm.s32 $0x8;
	s20 =	sor.u32 $0x8000, s20;
	[tilespmem:s22+$0x1830 ss:$0x81] =	vst.msk $0xffff, v6;
	v0 =	vld [tilespmem:s21+$0x30]  }
.LBB1_3:
0x58: {  	p1 =	sne.s32 s25, $0x1FC;
	v5 =	vld [tilespmem:s21+$0xFFFFFFD0];
	[tilespmem:s22+$0x2040 ss:$0x81] =	vst.msk $0xffff, v4  }
0x59: {  	v6 =	vld [tilespmem:s21+$0xFFFFFFE0];
	[tilespmem:s22+$0x2850 ss:$0x81] =	vst.msk $0xffff, v3  }
0x5a: {  	s26 =	sshra.s32 s24, $0x2;
	s24 =	smov.u32 s25;
	v7 =	vld [tilespmem:s21+$0xFFFFFFF0];
	[tilespmem:s22+$0x3060 ss:$0x81] =	vst.msk $0xffff, v2  }
.Ltmp3:
0x5b: {  	v4 =	vld [tilespmem:s21+$0x0];
	[tilespmem:s22+$0x0 ss:$0x81] =	vst.msk $0xffff, v1;
	s22 =	sadd.s32 s26, s23;
	(pc) =	sbr.rel @p1 .LBB1_3-.Ltmp3, $4  }
0x5c: {  	v3 =	vld [tilespmem:s21+$0x10];
	[tilespmem:s22+$0x3870 ss:$0x81] =	vst.msk $0xffff, v0  }
0x5d: {  	[tilespmem:s22+$0x810 ss:$0x81] =	vst.msk $0xffff, v5;
	v2 =	vld [tilespmem:s21+$0x20]  }
0x5e: {  	v1 =	vld [tilespmem:s21+$0xFFFFFFC0];
	[tilespmem:s22+$0x1020 ss:$0x81] =	vst.msk $0xffff, v6;
	s21 =	sadd.s32 $0x80, s21  }
0x5f: {  	s25 =	sadd.s32 $0x4, s25;
	v0 =	vld [tilespmem:s21+$0x30];
	[tilespmem:s22+$0x1830 ss:$0x81] =	vst.msk $0xffff, v7  }
.Ltmp4:
0x60: {  	_ = 	snop;
	(pc) =	sbr.rel .LBB1_4-.Ltmp4, $1  }
0x61: {  	_ =	sdelay $0x3  }
.LBB1_6:
0x62: {  	_ =	sfence.sel $0x180000  }
0x63: {  	s2 =	simm.s32 $0x1;
	[bflag:$0x0] =	sbarrier.arrive $0xFFFF  }
0x64: {  	s31 =	simm.s32 $0x2;
	[sflag:s2] =	ssyncpa.u1 $0x1  }
0x65: {  	[sflag:s31] =	ssyncpa.u1 $0x1  }
0x66: {  	p0 =	sne.s32 s1, $0x0;
	_ =	strace $0x90000050  }
0x67: {  	s0 =	sadd.s32 @!p0 $0x100000, s0;
	[bflag:$0x2] =	sbarrier.arrive $0xFFFF  }
0x68: {  	[sflag:s0] =	ssyncadd.tile.s32 @!p0 $0x1;
	_ =	shalt  }
.Lfunc_end1:
_tile_overlayer_lowered:
.L_overlay_start_2:
0x69: {  	(tag) =	ssettag $0x2  }
0x6a: {  	s0 =	rddreg [dreg:$0x0];
	s2 =	stileid.u32  }
0x6b: {  	s1 =	rddreg [dreg:$0x1];
	p0 =	sne.s32 s2, $0x0  }
0x6c: {  	s3 =	rddreg [dreg:$0x2];
	[bflag:$0x3] =	sbarrier.arrive $0xFFFF;
	s2 =	simm.s32 @!p0 $0x1C01  }
0x6d: {  	[timem:s3], [sflag:s2] =	dma.local @!p0 [hbm:s0], s1  }
0x6e: {  	s0 =	simm.s32 @!p0 $0x1  }
0x6f: {  	_ =	swait.ge @!p0 [sflag:s0], s1  }
0x70: {  	s1 =	ssub.s32 @!p0 $0x0, s1;
	[sflag:s0] =	ssyncset.done @!p0 $0x0  }
0x71: {  	[sflag:s0] =	ssyncadd.s32 @!p0 s1  }
0x72: {  	[bflag:$0x3] =	sbarrier.arrive $0xFFFF  }
0x73: {  	_ =	shalt  }

</sc_bundles>
